<compile_context>
chip_gen: v7x
topology: tpu7x:2x2x1
jax: 0.10.2.dev20260603
libtpu: 0.0.44.dev20260713+nightly
codegen_flags: <defaults>
</compile_context>

<pallas_src>
import functools

import jax
import jax.numpy as jnp
from jax import lax
from jax.experimental import pallas as pl
from jax.experimental.pallas import tpu as pltpu
from jax.experimental.pallas import tpu_sc as plsc

_N_USERS = 1340
_N_ITEMS = 733
_BIN = 60
_MAXDAY = 4096
_GMEAN = 4.16275031832388
_B = 16384

_NC = 2
_NS = 16
_L = 16
_NW = _NC * _NS
_BPW = _B // _NW
_G = _BPW // _L
_CH = 4
_GPC = _G // _CH
_RPC = _GPC * _L

_AL_OFF = _N_USERS
_MU_OFF = 2 * _N_USERS
_BI_OFF = 3 * _N_USERS
_W_OFF = 3 * _N_USERS + _N_ITEMS
_WPU_OFF = _W_OFF + 5
_WPI_OFF = _WPU_OFF + 5 * _N_USERS
_BT_OFF = _WPI_OFF + 5 * _N_ITEMS
_TAB_N = _BT_OFF + _MAXDAY + 1

_LOG2_C = (5.0603279522057666e-06, 1.4423955889439901, -0.7169875678731885,
           0.4538582052913859, -0.2723558270407965, 0.11790686115237654,
           -0.024825984443424976)
_POW_SCALE = 0.4 * 0.6931471805599453


@functools.partial(
    pl.kernel,
    out_type=jax.ShapeDtypeStruct((5, _B), jnp.float32),
    mesh=plsc.VectorSubcoreMesh(core_axis_name="c", subcore_axis_name="s",
                                num_cores=_NC, num_subcores=_NS),
    compiler_params=pltpu.CompilerParams(needs_layout_passes=False),
    scratch_types=[
        pltpu.VMEM((_BPW,), jnp.int32),
        pltpu.VMEM((_BPW,), jnp.int32),
        pltpu.VMEM((_BPW,), jnp.int32),
        pltpu.VMEM((_BPW,), jnp.int32),
        pltpu.VMEM((_BPW,), jnp.int32),
        pltpu.VMEM((_TAB_N,), jnp.float32),
        pltpu.VMEM((16,), jnp.float32),
        pltpu.VMEM((128,), jnp.int32),
        pltpu.VMEM((128,), jnp.int32),
        pltpu.VMEM((128,), jnp.int32),
        pltpu.VMEM((128,), jnp.int32),
        pltpu.VMEM((_BPW,), jnp.float32),
        pltpu.VMEM((8, _BPW), jnp.float32),
        pltpu.SemaphoreType.DMA,
        pltpu.SemaphoreType.DMA,
        pltpu.SemaphoreType.DMA,
        pltpu.SemaphoreType.DMA,
    ],
)
def _sc_kernel(uids_h, iids_h, itbin_h, tday_h, mcat_h, tab_h, bout_h,
               wbit_h, out_h,
               u_v, i_v, tb_v, td_v, mc_v, tab_t, bo_t,
               widx0, widx1, widx2, widx3, wval_v, out_v,
               sem, tsem, gsem, osem):
    wid = lax.axis_index("s") * _NC + lax.axis_index("c")
    base = wid * _BPW

    tab_cp = pltpu.async_copy(tab_h, tab_t, tsem)
    bo_cp = pltpu.async_copy(bout_h, bo_t.at[pl.ds(8, 5)], tsem)
    in_cps = [
        pltpu.async_copy(uids_h.at[pl.ds(base, _BPW)], u_v, sem),
        pltpu.async_copy(iids_h.at[pl.ds(base, _BPW)], i_v, sem),
        pltpu.async_copy(itbin_h.at[pl.ds(base, _BPW)], tb_v, sem),
        pltpu.async_copy(tday_h.at[pl.ds(base, _BPW)], td_v, sem),
        pltpu.async_copy(mcat_h.at[pl.ds(base, _BPW)], mc_v, sem),
    ]
    with jax.named_scope("in_wait"):
        for c in in_cps:
            c.wait()

    iota = lax.iota(jnp.int32, _L)

    widxs = [widx0, widx1, widx2, widx3]
    for k in range(4):
        def widx_body(g, carry, k=k):
            off = k * 128 + g * _L
            it = i_v[pl.ds(off, _L)]
            tb = tb_v[pl.ds(off, _L)]
            widxs[k][pl.ds(g * _L, _L)] = it * _BIN + tb
            return carry

        lax.fori_loop(0, 128 // _L, widx_body, 0)
    gats = [pltpu.async_copy(wbit_h.at[widxs[k]],
                             wval_v.at[pl.ds(k * 128, 128)], gsem)
            for k in range(4)]
    with jax.named_scope("tab_wait"):
        tab_cp.wait()
        bo_cp.wait()
    with jax.named_scope("gat_wait"):
        for c in gats:
            c.wait()

    wvec = [plsc.load_gather(tab_t, [jnp.full((_L,), _W_OFF + j, jnp.int32)])
            for j in range(5)]
    bvec = [plsc.load_gather(bo_t, [jnp.full((_L,), 8 + j, jnp.int32)])
            for j in range(5)]

    def body(g, carry):
        off = g * _L
        u = u_v[pl.ds(off, _L)]
        it = i_v[pl.ds(off, _L)]
        td = td_v[pl.ds(off, _L)]
        mc = mc_v[pl.ds(off, _L)]

        u5 = _WPU_OFF + u * 5
        i5 = _WPI_OFF + it * 5
        bu = plsc.load_gather(tab_t, [u])
        al = plsc.load_gather(tab_t, [_AL_OFF + u])
        mean = plsc.load_gather(tab_t, [_MU_OFF + u])
        bi = plsc.load_gather(tab_t, [_BI_OFF + it])
        acc = None
        for j in range(5):
            pu = plsc.load_gather(tab_t, [u5 + j])
            pi = plsc.load_gather(tab_t, [i5 + j])
            acc = pu * pi if acc is None else acc + pu * pi
        wbitv = wval_v[pl.ds(off, _L)]
        btv = plsc.load_gather(tab_t, [_BT_OFF + mc])

        tdf = td.astype(jnp.float32) - mean
        d = jnp.abs(tdf)
        bits = plsc.bitcast(d, jnp.int32)
        e = ((bits >> 23) - 127).astype(jnp.float32)
        m = plsc.bitcast((bits & 0x007FFFFF) | 0x3F800000, jnp.float32)
        t = m - 1.0
        p = jnp.float32(_LOG2_C[6])
        for c_ in _LOG2_C[5::-1]:
            p = p * t + jnp.float32(c_)
        dev_mag = jnp.exp((e + p) * jnp.float32(_POW_SCALE))
        dev = jnp.sign(tdf) * dev_mag

        pred = _GMEAN + bu + al * dev + btv + bi + wbitv + acc

        for j in range(5):
            out_v[j, pl.ds(off, _L)] = pred * wvec[j] + bvec[j]
        return carry

    with jax.named_scope("main_loop"):
        for k in range(_CH):
            lax.fori_loop(k * _GPC, (k + 1) * _GPC, body, 0)
            pltpu.async_copy(
                out_v.at[pl.ds(0, 5), pl.ds(k * _RPC, _RPC)],
                out_h.at[:, pl.ds(base + k * _RPC, _RPC)],
                osem)

    with jax.named_scope("out_wait"):
        for k in range(_CH):
            pltpu.make_async_copy(
                out_v.at[pl.ds(0, 5), pl.ds(k * _RPC, _RPC)],
                out_h.at[:, pl.ds(base + k * _RPC, _RPC)],
                osem).wait()


def kernel(user_ids, item_ids, itbin, tday, maxday_cat, mean_ud,
           BU, BI, WPU, WPI, WBIT, Alpha, BTDay, W_out, b_out):
    f32 = jnp.float32
    i32 = jnp.int32
    cat1 = jnp.concatenate(
        [BU, Alpha, mean_ud.astype(f32), BI, W_out], axis=0).reshape(-1)
    wp = jnp.concatenate([WPU, WPI], axis=0).reshape(-1)
    tab = jnp.concatenate([cat1, wp, BTDay])
    out = _sc_kernel(user_ids.astype(i32), item_ids.astype(i32),
                     itbin.astype(i32), tday.astype(i32),
                     maxday_cat.astype(i32), tab, b_out, WBIT.reshape(-1))
    return out.T

# --- scband reference (transcript-rebuilt; emitter-appended) ---
"""Pipeline reference for scband-recommendation-user-tt-54185307406959 (READ-ONLY COPY).

The authoritative reference and input builder live on the scoring server;
editing this copy changes nothing except your own understanding.
"""

import jax, jax.numpy as jnp
import numpy as np

N_USERS = 1340
N_ITEMS = 733
N_F = 5
BIN_SIZE = 60
MAXDAY_CAT = 4096
BETA = 0.4
GLOBAL_MEAN = 4.16275031832388
BATCH = 16384


def setup_inputs(seed: int = 0) -> dict:
    key = jax.random.key(seed)
    ks = jax.random.split(key, 16)
    user_ids = jax.random.randint(ks[0], (BATCH,), 0, N_USERS)
    item_ids = jax.random.randint(ks[1], (BATCH,), 0, N_ITEMS)
    itbin = jax.random.randint(ks[2], (BATCH,), 0, BIN_SIZE)
    tday = jax.random.randint(ks[3], (BATCH,), 0, MAXDAY_CAT)
    maxday_cat = jax.random.randint(ks[4], (BATCH,), 0, MAXDAY_CAT + 1)
    mean_ud = jax.random.randint(ks[5], (N_USERS, 1), 0, MAXDAY_CAT)
    # learned parameters (original inits zeros; use small randn so outputs are nontrivial)
    BU = jax.random.normal(ks[6], (N_USERS, 1), dtype=jnp.float32) * 0.01
    BI = jax.random.normal(ks[7], (N_ITEMS, 1), dtype=jnp.float32) * 0.01
    WPU = jax.random.normal(ks[8], (N_USERS, N_F), dtype=jnp.float32) * 0.01
    WPI = jax.random.normal(ks[9], (N_ITEMS, N_F), dtype=jnp.float32) * 0.01
    WBIT = jax.random.normal(ks[10], (N_ITEMS, BIN_SIZE), dtype=jnp.float32) * 0.01
    Alpha = jax.random.normal(ks[11], (N_USERS, 1), dtype=jnp.float32) * 0.01
    BTDay = jax.random.normal(ks[12], (MAXDAY_CAT + 1,), dtype=jnp.float32) * 0.01
    W_out = jax.random.normal(ks[13], (5, 1), dtype=jnp.float32) * 0.1
    b_out = jax.random.normal(ks[14], (5,), dtype=jnp.float32) * 0.1
    return {"user_ids": user_ids, "item_ids": item_ids, "itbin": itbin,
            "tday": tday, "maxday_cat": maxday_cat, "mean_ud": mean_ud,
            "BU": BU, "BI": BI, "WPU": WPU, "WPI": WPI, "WBIT": WBIT,
            "Alpha": Alpha, "BTDay": BTDay, "W_out": W_out, "b_out": b_out}


def reference(user_ids, item_ids, itbin, tday, maxday_cat, mean_ud,
              BU, BI, WPU, WPI, WBIT, Alpha, BTDay, W_out, b_out):
    bias_user = BU[user_ids].squeeze(-1)                       # [B]
    bias_item = BI[item_ids].squeeze(-1)                       # [B]
    user_factors = WPU[user_ids]                               # [B, 5]
    item_factors = WPI[item_ids]                               # [B, 5]
    bias_vector = jnp.sum(user_factors * item_factors, axis=1)
    row = jnp.clip(item_ids, 0, N_ITEMS - 1)
    col = jnp.clip(itbin, 0, BIN_SIZE - 1)
    bias_item_binvalue = WBIT[row, col]                        # [B]
    bias_item_time = bias_item + bias_item_binvalue
    butday = BTDay[maxday_cat]                                 # [B]
    alpha_value = Alpha[user_ids]                              # [B, 1]
    uid_clip = jnp.clip(user_ids, 0, mean_ud.shape[0] - 1)
    mean_tday = mean_ud[uid_clip]                              # [B, 1]
    tday_diff = (tday - mean_tday.squeeze(1)).astype(jnp.float32)
    dev_t = jnp.sign(tday_diff) * jnp.power(jnp.abs(tday_diff), BETA)
    bias_user_tvalue = alpha_value.squeeze(1) * dev_t
    bias_user_time = bias_user + bias_user_tvalue + butday
    pred = GLOBAL_MEAN + bias_user_time + bias_item_time + bias_vector   # [B]
    pred = pred[:, None] @ W_out.T + b_out                     # Linear(1, 5) -> [B, 5]
    return pred

if __name__ == "__main__":
    import jax
    _d = setup_inputs()
    print(jax.jit(kernel)(*tuple(_d.values())))

</pallas_src>

<mosaic_0001>
#map = affine_map<(d0, d1) -> (0)>
#map1 = affine_map<(d0, d1) -> (0, 0)>
module attributes {stable_mosaic.version = 14 : i64} {
  func.func @_sc_kernel(%arg0: i32, %arg1: i32, %arg2: memref<16384xi32, #tpu.memory_space<hbm>>, %arg3: memref<16384xi32, #tpu.memory_space<hbm>>, %arg4: memref<16384xi32, #tpu.memory_space<hbm>>, %arg5: memref<16384xi32, #tpu.memory_space<hbm>>, %arg6: memref<16384xi32, #tpu.memory_space<hbm>>, %arg7: memref<19220xf32, #tpu.memory_space<hbm>>, %arg8: memref<5xf32, #tpu.memory_space<hbm>>, %arg9: memref<43980xf32, #tpu.memory_space<hbm>>, %arg10: memref<5x16384xf32, #tpu.memory_space<hbm>>, %arg11: memref<512xi32, #tpu.memory_space<vmem>>, %arg12: memref<512xi32, #tpu.memory_space<vmem>>, %arg13: memref<512xi32, #tpu.memory_space<vmem>>, %arg14: memref<512xi32, #tpu.memory_space<vmem>>, %arg15: memref<512xi32, #tpu.memory_space<vmem>>, %arg16: memref<19220xf32, #tpu.memory_space<vmem>>, %arg17: memref<16xf32, #tpu.memory_space<vmem>>, %arg18: memref<128xi32, #tpu.memory_space<vmem>>, %arg19: memref<128xi32, #tpu.memory_space<vmem>>, %arg20: memref<128xi32, #tpu.memory_space<vmem>>, %arg21: memref<128xi32, #tpu.memory_space<vmem>>, %arg22: memref<512xf32, #tpu.memory_space<vmem>>, %arg23: memref<8x512xf32, #tpu.memory_space<vmem>>, %arg24: memref<!tpu.dma_semaphore, #tpu.memory_space<semaphore_mem>>, %arg25: memref<!tpu.dma_semaphore, #tpu.memory_space<semaphore_mem>>, %arg26: memref<!tpu.dma_semaphore, #tpu.memory_space<semaphore_mem>>, %arg27: memref<!tpu.dma_semaphore, #tpu.memory_space<semaphore_mem>>) attributes {dimension_semantics = [#tpu.dimension_semantics<core_parallel>, #tpu.dimension_semantics<subcore_parallel>], iteration_bounds = array<i64: 2, 16>, scalar_prefetch = 0 : i64, scratch_operands = 17 : i64, tpu.core_type = #tpu.core_type<sc_vector_subcore>, window_params = [{transform_indices = #map}, {transform_indices = #map}, {transform_indices = #map}, {transform_indices = #map}, {transform_indices = #map}, {transform_indices = #map}, {transform_indices = #map}, {transform_indices = #map}, {transform_indices = #map1}]} {
    %mul3A = arith.constant 2 : i32
    %mul3A_0 = arith.muli %arg1, %mul3A : i32
    %add3A = arith.addi %mul3A_0, %arg0 : i32
    %mul3A_1 = arith.constant 512 : i32
    %mul3A_2 = arith.muli %add3A, %mul3A_1 : i32
    tpu.enqueue_dma source(%arg7 : memref<19220xf32, #tpu.memory_space<hbm>>) target(%arg16 : memref<19220xf32, #tpu.memory_space<vmem>>) target_semaphore(%arg25 : memref<!tpu.dma_semaphore, #tpu.memory_space<semaphore_mem>>)
    %dma_start3A = arith.constant 8 : i32
    %dma_start3A_3 = tpu.memref_slice %arg17[%dma_start3A] : memref<16xf32, #tpu.memory_space<vmem>> -> memref<5xf32, #tpu.memory_space<vmem>>
    %dma_start3A_4 = arith.constant 8 : i32
    %dma_start3A_5 = tpu.memref_slice %arg17[%dma_start3A_4] : memref<16xf32, #tpu.memory_space<vmem>> -> memref<5xf32, #tpu.memory_space<vmem>>
    tpu.enqueue_dma source(%arg8 : memref<5xf32, #tpu.memory_space<hbm>>) target(%dma_start3A_5 : memref<5xf32, #tpu.memory_space<vmem>>) target_semaphore(%arg25 : memref<!tpu.dma_semaphore, #tpu.memory_space<semaphore_mem>>)
    %dma_start3A_6 = tpu.memref_slice %arg2[%mul3A_2] : memref<16384xi32, #tpu.memory_space<hbm>> -> memref<512xi32, #tpu.memory_space<hbm>>
    %dma_start3A_7 = tpu.memref_slice %arg2[%mul3A_2] : memref<16384xi32, #tpu.memory_space<hbm>> -> memref<512xi32, #tpu.memory_space<hbm>>
    tpu.enqueue_dma source(%dma_start3A_7 : memref<512xi32, #tpu.memory_space<hbm>>) target(%arg11 : memref<512xi32, #tpu.memory_space<vmem>>) target_semaphore(%arg24 : memref<!tpu.dma_semaphore, #tpu.memory_space<semaphore_mem>>)
    %dma_start3A_8 = tpu.memref_slice %arg3[%mul3A_2] : memref<16384xi32, #tpu.memory_space<hbm>> -> memref<512xi32, #tpu.memory_space<hbm>>
    %dma_start3A_9 = tpu.memref_slice %arg3[%mul3A_2] : memref<16384xi32, #tpu.memory_space<hbm>> -> memref<512xi32, #tpu.memory_space<hbm>>
    tpu.enqueue_dma source(%dma_start3A_9 : memref<512xi32, #tpu.memory_space<hbm>>) target(%arg12 : memref<512xi32, #tpu.memory_space<vmem>>) target_semaphore(%arg24 : memref<!tpu.dma_semaphore, #tpu.memory_space<semaphore_mem>>)
    %dma_start3A_10 = tpu.memref_slice %arg4[%mul3A_2] : memref<16384xi32, #tpu.memory_space<hbm>> -> memref<512xi32, #tpu.memory_space<hbm>>
    %dma_start3A_11 = tpu.memref_slice %arg4[%mul3A_2] : memref<16384xi32, #tpu.memory_space<hbm>> -> memref<512xi32, #tpu.memory_space<hbm>>
    tpu.enqueue_dma source(%dma_start3A_11 : memref<512xi32, #tpu.memory_space<hbm>>) target(%arg13 : memref<512xi32, #tpu.memory_space<vmem>>) target_semaphore(%arg24 : memref<!tpu.dma_semaphore, #tpu.memory_space<semaphore_mem>>)
    %dma_start3A_12 = tpu.memref_slice %arg5[%mul3A_2] : memref<16384xi32, #tpu.memory_space<hbm>> -> memref<512xi32, #tpu.memory_space<hbm>>
    %dma_start3A_13 = tpu.memref_slice %arg5[%mul3A_2] : memref<16384xi32, #tpu.memory_space<hbm>> -> memref<512xi32, #tpu.memory_space<hbm>>
    tpu.enqueue_dma source(%dma_start3A_13 : memref<512xi32, #tpu.memory_space<hbm>>) target(%arg14 : memref<512xi32, #tpu.memory_space<vmem>>) target_semaphore(%arg24 : memref<!tpu.dma_semaphore, #tpu.memory_space<semaphore_mem>>)
    %dma_start3A_14 = tpu.memref_slice %arg6[%mul3A_2] : memref<16384xi32, #tpu.memory_space<hbm>> -> memref<512xi32, #tpu.memory_space<hbm>>
    %dma_start3A_15 = tpu.memref_slice %arg6[%mul3A_2] : memref<16384xi32, #tpu.memory_space<hbm>> -> memref<512xi32, #tpu.memory_space<hbm>>
    tpu.enqueue_dma source(%dma_start3A_15 : memref<512xi32, #tpu.memory_space<hbm>>) target(%arg15 : memref<512xi32, #tpu.memory_space<vmem>>) target_semaphore(%arg24 : memref<!tpu.dma_semaphore, #tpu.memory_space<semaphore_mem>>)
    "tpu.trace_start"() <{level = 10 : i32, message = "in_wait"}> : () -> ()
    %dma_wait3A = tpu.memref_slice %arg2[%mul3A_2] : memref<16384xi32, #tpu.memory_space<hbm>> -> memref<512xi32, #tpu.memory_space<hbm>>
    %dma_wait3A_16 = tpu.memref_slice %arg2[%mul3A_2] : memref<16384xi32, #tpu.memory_space<hbm>> -> memref<512xi32, #tpu.memory_space<hbm>>
    tpu.wait_dma2 semaphore(%arg24 : memref<!tpu.dma_semaphore, #tpu.memory_space<semaphore_mem>>) src(%dma_wait3A_16 : memref<512xi32, #tpu.memory_space<hbm>>) dst(%arg11 : memref<512xi32, #tpu.memory_space<vmem>>)
    %dma_wait3A_17 = tpu.memref_slice %arg3[%mul3A_2] : memref<16384xi32, #tpu.memory_space<hbm>> -> memref<512xi32, #tpu.memory_space<hbm>>
    %dma_wait3A_18 = tpu.memref_slice %arg3[%mul3A_2] : memref<16384xi32, #tpu.memory_space<hbm>> -> memref<512xi32, #tpu.memory_space<hbm>>
    tpu.wait_dma2 semaphore(%arg24 : memref<!tpu.dma_semaphore, #tpu.memory_space<semaphore_mem>>) src(%dma_wait3A_18 : memref<512xi32, #tpu.memory_space<hbm>>) dst(%arg12 : memref<512xi32, #tpu.memory_space<vmem>>)
    %dma_wait3A_19 = tpu.memref_slice %arg4[%mul3A_2] : memref<16384xi32, #tpu.memory_space<hbm>> -> memref<512xi32, #tpu.memory_space<hbm>>
    %dma_wait3A_20 = tpu.memref_slice %arg4[%mul3A_2] : memref<16384xi32, #tpu.memory_space<hbm>> -> memref<512xi32, #tpu.memory_space<hbm>>
    tpu.wait_dma2 semaphore(%arg24 : memref<!tpu.dma_semaphore, #tpu.memory_space<semaphore_mem>>) src(%dma_wait3A_20 : memref<512xi32, #tpu.memory_space<hbm>>) dst(%arg13 : memref<512xi32, #tpu.memory_space<vmem>>)
    %dma_wait3A_21 = tpu.memref_slice %arg5[%mul3A_2] : memref<16384xi32, #tpu.memory_space<hbm>> -> memref<512xi32, #tpu.memory_space<hbm>>
    %dma_wait3A_22 = tpu.memref_slice %arg5[%mul3A_2] : memref<16384xi32, #tpu.memory_space<hbm>> -> memref<512xi32, #tpu.memory_space<hbm>>
    tpu.wait_dma2 semaphore(%arg24 : memref<!tpu.dma_semaphore, #tpu.memory_space<semaphore_mem>>) src(%dma_wait3A_22 : memref<512xi32, #tpu.memory_space<hbm>>) dst(%arg14 : memref<512xi32, #tpu.memory_space<vmem>>)
    %dma_wait3A_23 = tpu.memref_slice %arg6[%mul3A_2] : memref<16384xi32, #tpu.memory_space<hbm>> -> memref<512xi32, #tpu.memory_space<hbm>>
    %dma_wait3A_24 = tpu.memref_slice %arg6[%mul3A_2] : memref<16384xi32, #tpu.memory_space<hbm>> -> memref<512xi32, #tpu.memory_space<hbm>>
    tpu.wait_dma2 semaphore(%arg24 : memref<!tpu.dma_semaphore, #tpu.memory_space<semaphore_mem>>) src(%dma_wait3A_24 : memref<512xi32, #tpu.memory_space<hbm>>) dst(%arg15 : memref<512xi32, #tpu.memory_space<vmem>>)
    "tpu.trace_stop"() : () -> ()
    %iota3A = tpu.iota {dimensions = array<i32: 0>} : vector<16xi32>
    %scan3A = arith.constant 0 : i32
    %scan3A_25 = arith.constant 0 : i32
    %scan3A_26 = arith.constant 8 : i32
    %scan3A_27 = arith.addi %scan3A_25, %scan3A_26 : i32
    %scan3A_28 = arith.constant 1 : i32
    scf.for %scan3A_232 = %scan3A_25 to %scan3A_27 step %scan3A_28  : i32 {
      %mul3A_233 = arith.constant 16 : i32
      %mul3A_234 = arith.muli %scan3A_232, %mul3A_233 : i32
      %add3A_235 = arith.constant 0 : i32
      %add3A_236 = arith.addi %add3A_235, %mul3A_234 : i32
      %get3A = arith.index_cast %add3A_236 : i32 to index
      %get3A_237 = tpu.vector_load %arg12[%get3A] {strides = array<i32>} : memref<512xi32, #tpu.memory_space<vmem>>, vector<16xi32>,
      %get3A_238 = arith.index_cast %add3A_236 : i32 to index
      %get3A_239 = tpu.vector_load %arg13[%get3A_238] {strides = array<i32>} : memref<512xi32, #tpu.memory_space<vmem>>, vector<16xi32>,
      %mul3A_240 = arith.constant 60 : i32
      %mul3A_241 = vector.broadcast %mul3A_240 : i32 to vector<16xi32>
      %mul3A_242 = arith.muli %get3A_237, %mul3A_241 : vector<16xi32>
      %add3A_243 = arith.addi %mul3A_242, %get3A_239 : vector<16xi32>
      %mul3A_244 = arith.constant 16 : i32
      %mul3A_245 = arith.muli %scan3A_232, %mul3A_244 : i32
      %swap3A = arith.index_cast %mul3A_245 : i32 to index
      %swap3A_246 = tpu.vector_load %arg18[%swap3A] {strides = array<i32>} : memref<128xi32, #tpu.memory_space<vmem>>, vector<16xi32>,
      tpu.vector_store %arg18[%swap3A], %add3A_243 {strides = array<i32>} : memref<128xi32, #tpu.memory_space<vmem>>, vector<16xi32>,
    }
    %scan3A_29 = arith.constant 8 : i32
    %scan3A_30 = arith.constant 0 : i32
    %scan3A_31 = arith.constant 0 : i32
    %scan3A_32 = arith.constant 8 : i32
    %scan3A_33 = arith.addi %scan3A_31, %scan3A_32 : i32
    %scan3A_34 = arith.constant 1 : i32
    scf.for %scan3A_232 = %scan3A_31 to %scan3A_33 step %scan3A_34  : i32 {
      %mul3A_233 = arith.constant 16 : i32
      %mul3A_234 = arith.muli %scan3A_232, %mul3A_233 : i32
      %add3A_235 = arith.constant 128 : i32
      %add3A_236 = arith.addi %add3A_235, %mul3A_234 : i32
      %get3A = arith.index_cast %add3A_236 : i32 to index
      %get3A_237 = tpu.vector_load %arg12[%get3A] {strides = array<i32>} : memref<512xi32, #tpu.memory_space<vmem>>, vector<16xi32>,
      %get3A_238 = arith.index_cast %add3A_236 : i32 to index
      %get3A_239 = tpu.vector_load %arg13[%get3A_238] {strides = array<i32>} : memref<512xi32, #tpu.memory_space<vmem>>, vector<16xi32>,
      %mul3A_240 = arith.constant 60 : i32
      %mul3A_241 = vector.broadcast %mul3A_240 : i32 to vector<16xi32>
      %mul3A_242 = arith.muli %get3A_237, %mul3A_241 : vector<16xi32>
      %add3A_243 = arith.addi %mul3A_242, %get3A_239 : vector<16xi32>
      %mul3A_244 = arith.constant 16 : i32
      %mul3A_245 = arith.muli %scan3A_232, %mul3A_244 : i32
      %swap3A = arith.index_cast %mul3A_245 : i32 to index
      %swap3A_246 = tpu.vector_load %arg19[%swap3A] {strides = array<i32>} : memref<128xi32, #tpu.memory_space<vmem>>, vector<16xi32>,
      tpu.vector_store %arg19[%swap3A], %add3A_243 {strides = array<i32>} : memref<128xi32, #tpu.memory_space<vmem>>, vector<16xi32>,
    }
    %scan3A_35 = arith.constant 8 : i32
    %scan3A_36 = arith.constant 0 : i32
    %scan3A_37 = arith.constant 0 : i32
    %scan3A_38 = arith.constant 8 : i32
    %scan3A_39 = arith.addi %scan3A_37, %scan3A_38 : i32
    %scan3A_40 = arith.constant 1 : i32
    scf.for %scan3A_232 = %scan3A_37 to %scan3A_39 step %scan3A_40  : i32 {
      %mul3A_233 = arith.constant 16 : i32
      %mul3A_234 = arith.muli %scan3A_232, %mul3A_233 : i32
      %add3A_235 = arith.constant 256 : i32
      %add3A_236 = arith.addi %add3A_235, %mul3A_234 : i32
      %get3A = arith.index_cast %add3A_236 : i32 to index
      %get3A_237 = tpu.vector_load %arg12[%get3A] {strides = array<i32>} : memref<512xi32, #tpu.memory_space<vmem>>, vector<16xi32>,
      %get3A_238 = arith.index_cast %add3A_236 : i32 to index
      %get3A_239 = tpu.vector_load %arg13[%get3A_238] {strides = array<i32>} : memref<512xi32, #tpu.memory_space<vmem>>, vector<16xi32>,
      %mul3A_240 = arith.constant 60 : i32
      %mul3A_241 = vector.broadcast %mul3A_240 : i32 to vector<16xi32>
      %mul3A_242 = arith.muli %get3A_237, %mul3A_241 : vector<16xi32>
      %add3A_243 = arith.addi %mul3A_242, %get3A_239 : vector<16xi32>
      %mul3A_244 = arith.constant 16 : i32
      %mul3A_245 = arith.muli %scan3A_232, %mul3A_244 : i32
      %swap3A = arith.index_cast %mul3A_245 : i32 to index
      %swap3A_246 = tpu.vector_load %arg20[%swap3A] {strides = array<i32>} : memref<128xi32, #tpu.memory_space<vmem>>, vector<16xi32>,
      tpu.vector_store %arg20[%swap3A], %add3A_243 {strides = array<i32>} : memref<128xi32, #tpu.memory_space<vmem>>, vector<16xi32>,
    }
    %scan3A_41 = arith.constant 8 : i32
    %scan3A_42 = arith.constant 0 : i32
    %scan3A_43 = arith.constant 0 : i32
    %scan3A_44 = arith.constant 8 : i32
    %scan3A_45 = arith.addi %scan3A_43, %scan3A_44 : i32
    %scan3A_46 = arith.constant 1 : i32
    scf.for %scan3A_232 = %scan3A_43 to %scan3A_45 step %scan3A_46  : i32 {
      %mul3A_233 = arith.constant 16 : i32
      %mul3A_234 = arith.muli %scan3A_232, %mul3A_233 : i32
      %add3A_235 = arith.constant 384 : i32
      %add3A_236 = arith.addi %add3A_235, %mul3A_234 : i32
      %get3A = arith.index_cast %add3A_236 : i32 to index
      %get3A_237 = tpu.vector_load %arg12[%get3A] {strides = array<i32>} : memref<512xi32, #tpu.memory_space<vmem>>, vector<16xi32>,
      %get3A_238 = arith.index_cast %add3A_236 : i32 to index
      %get3A_239 = tpu.vector_load %arg13[%get3A_238] {strides = array<i32>} : memref<512xi32, #tpu.memory_space<vmem>>, vector<16xi32>,
      %mul3A_240 = arith.constant 60 : i32
      %mul3A_241 = vector.broadcast %mul3A_240 : i32 to vector<16xi32>
      %mul3A_242 = arith.muli %get3A_237, %mul3A_241 : vector<16xi32>
      %add3A_243 = arith.addi %mul3A_242, %get3A_239 : vector<16xi32>
      %mul3A_244 = arith.constant 16 : i32
      %mul3A_245 = arith.muli %scan3A_232, %mul3A_244 : i32
      %swap3A = arith.index_cast %mul3A_245 : i32 to index
      %swap3A_246 = tpu.vector_load %arg21[%swap3A] {strides = array<i32>} : memref<128xi32, #tpu.memory_space<vmem>>, vector<16xi32>,
      tpu.vector_store %arg21[%swap3A], %add3A_243 {strides = array<i32>} : memref<128xi32, #tpu.memory_space<vmem>>, vector<16xi32>,
    }
    %scan3A_47 = arith.constant 8 : i32
    %dma_start3A_48 = arith.constant 0 : i32
    %dma_start3A_49 = tpu.memref_slice %arg22[%dma_start3A_48] : memref<512xf32, #tpu.memory_space<vmem>> -> memref<128xf32, #tpu.memory_space<vmem>>
    %dma_start3A_50 = arith.constant 0 : i32
    %dma_start3A_51 = tpu.memref_slice %arg9[%dma_start3A_50] : memref<43980xf32, #tpu.memory_space<hbm>> -> memref<43980xf32, #tpu.memory_space<hbm>>
    tpu.enqueue_indirect_dma source(%dma_start3A_51 : memref<43980xf32, #tpu.memory_space<hbm>>) target(%dma_start3A_49 : memref<128xf32, #tpu.memory_space<vmem>>) offsets(%arg18 : memref<128xi32, #tpu.memory_space<vmem>>) semaphore(%arg26 : memref<!tpu.dma_semaphore, #tpu.memory_space<semaphore_mem>>)
    %dma_start3A_52 = arith.constant 128 : i32
    %dma_start3A_53 = tpu.memref_slice %arg22[%dma_start3A_52] : memref<512xf32, #tpu.memory_space<vmem>> -> memref<128xf32, #tpu.memory_space<vmem>>
    %dma_start3A_54 = arith.constant 0 : i32
    %dma_start3A_55 = tpu.memref_slice %arg9[%dma_start3A_54] : memref<43980xf32, #tpu.memory_space<hbm>> -> memref<43980xf32, #tpu.memory_space<hbm>>
    tpu.enqueue_indirect_dma source(%dma_start3A_55 : memref<43980xf32, #tpu.memory_space<hbm>>) target(%dma_start3A_53 : memref<128xf32, #tpu.memory_space<vmem>>) offsets(%arg19 : memref<128xi32, #tpu.memory_space<vmem>>) semaphore(%arg26 : memref<!tpu.dma_semaphore, #tpu.memory_space<semaphore_mem>>)
    %dma_start3A_56 = arith.constant 256 : i32
    %dma_start3A_57 = tpu.memref_slice %arg22[%dma_start3A_56] : memref<512xf32, #tpu.memory_space<vmem>> -> memref<128xf32, #tpu.memory_space<vmem>>
    %dma_start3A_58 = arith.constant 0 : i32
    %dma_start3A_59 = tpu.memref_slice %arg9[%dma_start3A_58] : memref<43980xf32, #tpu.memory_space<hbm>> -> memref<43980xf32, #tpu.memory_space<hbm>>
    tpu.enqueue_indirect_dma source(%dma_start3A_59 : memref<43980xf32, #tpu.memory_space<hbm>>) target(%dma_start3A_57 : memref<128xf32, #tpu.memory_space<vmem>>) offsets(%arg20 : memref<128xi32, #tpu.memory_space<vmem>>) semaphore(%arg26 : memref<!tpu.dma_semaphore, #tpu.memory_space<semaphore_mem>>)
    %dma_start3A_60 = arith.constant 384 : i32
    %dma_start3A_61 = tpu.memref_slice %arg22[%dma_start3A_60] : memref<512xf32, #tpu.memory_space<vmem>> -> memref<128xf32, #tpu.memory_space<vmem>>
    %dma_start3A_62 = arith.constant 0 : i32
    %dma_start3A_63 = tpu.memref_slice %arg9[%dma_start3A_62] : memref<43980xf32, #tpu.memory_space<hbm>> -> memref<43980xf32, #tpu.memory_space<hbm>>
    tpu.enqueue_indirect_dma source(%dma_start3A_63 : memref<43980xf32, #tpu.memory_space<hbm>>) target(%dma_start3A_61 : memref<128xf32, #tpu.memory_space<vmem>>) offsets(%arg21 : memref<128xi32, #tpu.memory_space<vmem>>) semaphore(%arg26 : memref<!tpu.dma_semaphore, #tpu.memory_space<semaphore_mem>>)
    "tpu.trace_start"() <{level = 10 : i32, message = "tab_wait"}> : () -> ()
    tpu.wait_dma2 semaphore(%arg25 : memref<!tpu.dma_semaphore, #tpu.memory_space<semaphore_mem>>) src(%arg7 : memref<19220xf32, #tpu.memory_space<hbm>>) dst(%arg16 : memref<19220xf32, #tpu.memory_space<vmem>>)
    %dma_wait3A_64 = arith.constant 8 : i32
    %dma_wait3A_65 = tpu.memref_slice %arg17[%dma_wait3A_64] : memref<16xf32, #tpu.memory_space<vmem>> -> memref<5xf32, #tpu.memory_space<vmem>>
    %dma_wait3A_66 = arith.constant 8 : i32
    %dma_wait3A_67 = tpu.memref_slice %arg17[%dma_wait3A_66] : memref<16xf32, #tpu.memory_space<vmem>> -> memref<5xf32, #tpu.memory_space<vmem>>
    tpu.wait_dma2 semaphore(%arg25 : memref<!tpu.dma_semaphore, #tpu.memory_space<semaphore_mem>>) src(%arg8 : memref<5xf32, #tpu.memory_space<hbm>>) dst(%dma_wait3A_67 : memref<5xf32, #tpu.memory_space<vmem>>)
    "tpu.trace_stop"() : () -> ()
    "tpu.trace_start"() <{level = 10 : i32, message = "gat_wait"}> : () -> ()
    %dma_wait3A_68 = arith.constant 0 : i32
    %dma_wait3A_69 = tpu.memref_slice %arg22[%dma_wait3A_68] : memref<512xf32, #tpu.memory_space<vmem>> -> memref<128xf32, #tpu.memory_space<vmem>>
    %dma_wait3A_70 = arith.constant 0 : i32
    %dma_wait3A_71 = tpu.memref_slice %arg9[%dma_wait3A_70] : memref<43980xf32, #tpu.memory_space<hbm>> -> memref<43980xf32, #tpu.memory_space<hbm>>
    tpu.wait_indirect_dma semaphore(%arg26 : memref<!tpu.dma_semaphore, #tpu.memory_space<semaphore_mem>>) src(%dma_wait3A_71 : memref<43980xf32, #tpu.memory_space<hbm>>) dst(%dma_wait3A_69 : memref<128xf32, #tpu.memory_space<vmem>>)
    %dma_wait3A_72 = arith.constant 128 : i32
    %dma_wait3A_73 = tpu.memref_slice %arg22[%dma_wait3A_72] : memref<512xf32, #tpu.memory_space<vmem>> -> memref<128xf32, #tpu.memory_space<vmem>>
    %dma_wait3A_74 = arith.constant 0 : i32
    %dma_wait3A_75 = tpu.memref_slice %arg9[%dma_wait3A_74] : memref<43980xf32, #tpu.memory_space<hbm>> -> memref<43980xf32, #tpu.memory_space<hbm>>
    tpu.wait_indirect_dma semaphore(%arg26 : memref<!tpu.dma_semaphore, #tpu.memory_space<semaphore_mem>>) src(%dma_wait3A_75 : memref<43980xf32, #tpu.memory_space<hbm>>) dst(%dma_wait3A_73 : memref<128xf32, #tpu.memory_space<vmem>>)
    %dma_wait3A_76 = arith.constant 256 : i32
    %dma_wait3A_77 = tpu.memref_slice %arg22[%dma_wait3A_76] : memref<512xf32, #tpu.memory_space<vmem>> -> memref<128xf32, #tpu.memory_space<vmem>>
    %dma_wait3A_78 = arith.constant 0 : i32
    %dma_wait3A_79 = tpu.memref_slice %arg9[%dma_wait3A_78] : memref<43980xf32, #tpu.memory_space<hbm>> -> memref<43980xf32, #tpu.memory_space<hbm>>
    tpu.wait_indirect_dma semaphore(%arg26 : memref<!tpu.dma_semaphore, #tpu.memory_space<semaphore_mem>>) src(%dma_wait3A_79 : memref<43980xf32, #tpu.memory_space<hbm>>) dst(%dma_wait3A_77 : memref<128xf32, #tpu.memory_space<vmem>>)
    %dma_wait3A_80 = arith.constant 384 : i32
    %dma_wait3A_81 = tpu.memref_slice %arg22[%dma_wait3A_80] : memref<512xf32, #tpu.memory_space<vmem>> -> memref<128xf32, #tpu.memory_space<vmem>>
    %dma_wait3A_82 = arith.constant 0 : i32
    %dma_wait3A_83 = tpu.memref_slice %arg9[%dma_wait3A_82] : memref<43980xf32, #tpu.memory_space<hbm>> -> memref<43980xf32, #tpu.memory_space<hbm>>
    tpu.wait_indirect_dma semaphore(%arg26 : memref<!tpu.dma_semaphore, #tpu.memory_space<semaphore_mem>>) src(%dma_wait3A_83 : memref<43980xf32, #tpu.memory_space<hbm>>) dst(%dma_wait3A_81 : memref<128xf32, #tpu.memory_space<vmem>>)
    %broadcast_in_dim3A = arith.constant 4753 : i32
    "tpu.trace_stop"() : () -> ()
    %broadcast_in_dim3A_84 = vector.broadcast %broadcast_in_dim3A : i32 to vector<16xi32>
    %gather3A = tpu.vector_load_idx %arg16[%broadcast_in_dim3A_84] : memref<19220xf32, #tpu.memory_space<vmem>>[vector<16xi32>], vector<16xf32>,
    %broadcast_in_dim3A_85 = arith.constant 4754 : i32
    %broadcast_in_dim3A_86 = vector.broadcast %broadcast_in_dim3A_85 : i32 to vector<16xi32>
    %gather3A_87 = tpu.vector_load_idx %arg16[%broadcast_in_dim3A_86] : memref<19220xf32, #tpu.memory_space<vmem>>[vector<16xi32>], vector<16xf32>,
    %broadcast_in_dim3A_88 = arith.constant 4755 : i32
    %broadcast_in_dim3A_89 = vector.broadcast %broadcast_in_dim3A_88 : i32 to vector<16xi32>
    %gather3A_90 = tpu.vector_load_idx %arg16[%broadcast_in_dim3A_89] : memref<19220xf32, #tpu.memory_space<vmem>>[vector<16xi32>], vector<16xf32>,
    %broadcast_in_dim3A_91 = arith.constant 4756 : i32
    %broadcast_in_dim3A_92 = vector.broadcast %broadcast_in_dim3A_91 : i32 to vector<16xi32>
    %gather3A_93 = tpu.vector_load_idx %arg16[%broadcast_in_dim3A_92] : memref<19220xf32, #tpu.memory_space<vmem>>[vector<16xi32>], vector<16xf32>,
    %broadcast_in_dim3A_94 = arith.constant 4757 : i32
    %broadcast_in_dim3A_95 = vector.broadcast %broadcast_in_dim3A_94 : i32 to vector<16xi32>
    %gather3A_96 = tpu.vector_load_idx %arg16[%broadcast_in_dim3A_95] : memref<19220xf32, #tpu.memory_space<vmem>>[vector<16xi32>], vector<16xf32>,
    %broadcast_in_dim3A_97 = arith.constant 8 : i32
    %broadcast_in_dim3A_98 = vector.broadcast %broadcast_in_dim3A_97 : i32 to vector<16xi32>
    %gather3A_99 = tpu.vector_load_idx %arg17[%broadcast_in_dim3A_98] : memref<16xf32, #tpu.memory_space<vmem>>[vector<16xi32>], vector<16xf32>,
    %broadcast_in_dim3A_100 = arith.constant 9 : i32
    %broadcast_in_dim3A_101 = vector.broadcast %broadcast_in_dim3A_100 : i32 to vector<16xi32>
    %gather3A_102 = tpu.vector_load_idx %arg17[%broadcast_in_dim3A_101] : memref<16xf32, #tpu.memory_space<vmem>>[vector<16xi32>], vector<16xf32>,
    %broadcast_in_dim3A_103 = arith.constant 10 : i32
    %broadcast_in_dim3A_104 = vector.broadcast %broadcast_in_dim3A_103 : i32 to vector<16xi32>
    %gather3A_105 = tpu.vector_load_idx %arg17[%broadcast_in_dim3A_104] : memref<16xf32, #tpu.memory_space<vmem>>[vector<16xi32>], vector<16xf32>,
    %broadcast_in_dim3A_106 = arith.constant 11 : i32
    %broadcast_in_dim3A_107 = vector.broadcast %broadcast_in_dim3A_106 : i32 to vector<16xi32>
    %gather3A_108 = tpu.vector_load_idx %arg17[%broadcast_in_dim3A_107] : memref<16xf32, #tpu.memory_space<vmem>>[vector<16xi32>], vector<16xf32>,
    %broadcast_in_dim3A_109 = arith.constant 12 : i32
    %broadcast_in_dim3A_110 = vector.broadcast %broadcast_in_dim3A_109 : i32 to vector<16xi32>
    %gather3A_111 = tpu.vector_load_idx %arg17[%broadcast_in_dim3A_110] : memref<16xf32, #tpu.memory_space<vmem>>[vector<16xi32>], vector<16xf32>,
    "tpu.trace_start"() <{level = 10 : i32, message = "main_loop"}> : () -> ()
    %scan3A_112 = arith.constant 0 : i32
    %scan3A_113 = arith.constant 0 : i32
    %scan3A_114 = arith.constant 8 : i32
    %scan3A_115 = arith.addi %scan3A_113, %scan3A_114 : i32
    %scan3A_116 = arith.constant 1 : i32
    scf.for %scan3A_232 = %scan3A_113 to %scan3A_115 step %scan3A_116  : i32 {
      %mul3A_233 = arith.constant 16 : i32
      %mul3A_234 = arith.muli %scan3A_232, %mul3A_233 : i32
      %get3A = arith.index_cast %mul3A_234 : i32 to index
      %get3A_235 = tpu.vector_load %arg11[%get3A] {strides = array<i32>} : memref<512xi32, #tpu.memory_space<vmem>>, vector<16xi32>,
      %get3A_236 = arith.index_cast %mul3A_234 : i32 to index
      %get3A_237 = tpu.vector_load %arg12[%get3A_236] {strides = array<i32>} : memref<512xi32, #tpu.memory_space<vmem>>, vector<16xi32>,
      %get3A_238 = arith.index_cast %mul3A_234 : i32 to index
      %get3A_239 = tpu.vector_load %arg14[%get3A_238] {strides = array<i32>} : memref<512xi32, #tpu.memory_space<vmem>>, vector<16xi32>,
      %get3A_240 = arith.index_cast %mul3A_234 : i32 to index
      %get3A_241 = tpu.vector_load %arg15[%get3A_240] {strides = array<i32>} : memref<512xi32, #tpu.memory_space<vmem>>, vector<16xi32>,
      %mul3A_242 = arith.constant 5 : i32
      %mul3A_243 = vector.broadcast %mul3A_242 : i32 to vector<16xi32>
      %mul3A_244 = arith.muli %get3A_235, %mul3A_243 : vector<16xi32>
      %add3A_245 = arith.constant 4758 : i32
      %add3A_246 = vector.broadcast %add3A_245 : i32 to vector<16xi32>
      %add3A_247 = arith.addi %add3A_246, %mul3A_244 : vector<16xi32>
      %mul3A_248 = arith.constant 5 : i32
      %mul3A_249 = vector.broadcast %mul3A_248 : i32 to vector<16xi32>
      %mul3A_250 = arith.muli %get3A_237, %mul3A_249 : vector<16xi32>
      %add3A_251 = arith.constant 11458 : i32
      %add3A_252 = vector.broadcast %add3A_251 : i32 to vector<16xi32>
      %add3A_253 = arith.addi %add3A_252, %mul3A_250 : vector<16xi32>
      %gather3A_254 = tpu.vector_load_idx %arg16[%get3A_235] : memref<19220xf32, #tpu.memory_space<vmem>>[vector<16xi32>], vector<16xf32>,
      %add3A_255 = arith.constant 1340 : i32
      %add3A_256 = vector.broadcast %add3A_255 : i32 to vector<16xi32>
      %add3A_257 = arith.addi %add3A_256, %get3A_235 : vector<16xi32>
      %gather3A_258 = tpu.vector_load_idx %arg16[%add3A_257] : memref<19220xf32, #tpu.memory_space<vmem>>[vector<16xi32>], vector<16xf32>,
      %add3A_259 = arith.constant 2680 : i32
      %add3A_260 = vector.broadcast %add3A_259 : i32 to vector<16xi32>
      %add3A_261 = arith.addi %add3A_260, %get3A_235 : vector<16xi32>
      %gather3A_262 = tpu.vector_load_idx %arg16[%add3A_261] : memref<19220xf32, #tpu.memory_space<vmem>>[vector<16xi32>], vector<16xf32>,
      %add3A_263 = arith.constant 4020 : i32
      %add3A_264 = vector.broadcast %add3A_263 : i32 to vector<16xi32>
      %add3A_265 = arith.addi %add3A_264, %get3A_237 : vector<16xi32>
      %gather3A_266 = tpu.vector_load_idx %arg16[%add3A_265] : memref<19220xf32, #tpu.memory_space<vmem>>[vector<16xi32>], vector<16xf32>,
      %add3A_267 = arith.constant 0 : i32
      %add3A_268 = vector.broadcast %add3A_267 : i32 to vector<16xi32>
      %add3A_269 = arith.addi %add3A_247, %add3A_268 : vector<16xi32>
      %gather3A_270 = tpu.vector_load_idx %arg16[%add3A_269] : memref<19220xf32, #tpu.memory_space<vmem>>[vector<16xi32>], vector<16xf32>,
      %add3A_271 = arith.constant 0 : i32
      %add3A_272 = vector.broadcast %add3A_271 : i32 to vector<16xi32>
      %add3A_273 = arith.addi %add3A_253, %add3A_272 : vector<16xi32>
      %gather3A_274 = tpu.vector_load_idx %arg16[%add3A_273] : memref<19220xf32, #tpu.memory_space<vmem>>[vector<16xi32>], vector<16xf32>,
      %mul3A_275 = arith.mulf %gather3A_270, %gather3A_274 : vector<16xf32>
      %add3A_276 = arith.constant 1 : i32
      %add3A_277 = vector.broadcast %add3A_276 : i32 to vector<16xi32>
      %add3A_278 = arith.addi %add3A_247, %add3A_277 : vector<16xi32>
      %gather3A_279 = tpu.vector_load_idx %arg16[%add3A_278] : memref<19220xf32, #tpu.memory_space<vmem>>[vector<16xi32>], vector<16xf32>,
      %add3A_280 = arith.constant 1 : i32
      %add3A_281 = vector.broadcast %add3A_280 : i32 to vector<16xi32>
      %add3A_282 = arith.addi %add3A_253, %add3A_281 : vector<16xi32>
      %gather3A_283 = tpu.vector_load_idx %arg16[%add3A_282] : memref<19220xf32, #tpu.memory_space<vmem>>[vector<16xi32>], vector<16xf32>,
      %mul3A_284 = arith.mulf %gather3A_279, %gather3A_283 : vector<16xf32>
      %add3A_285 = arith.addf %mul3A_275, %mul3A_284 : vector<16xf32>
      %add3A_286 = arith.constant 2 : i32
      %add3A_287 = vector.broadcast %add3A_286 : i32 to vector<16xi32>
      %add3A_288 = arith.addi %add3A_247, %add3A_287 : vector<16xi32>
      %gather3A_289 = tpu.vector_load_idx %arg16[%add3A_288] : memref<19220xf32, #tpu.memory_space<vmem>>[vector<16xi32>], vector<16xf32>,
      %add3A_290 = arith.constant 2 : i32
      %add3A_291 = vector.broadcast %add3A_290 : i32 to vector<16xi32>
      %add3A_292 = arith.addi %add3A_253, %add3A_291 : vector<16xi32>
      %gather3A_293 = tpu.vector_load_idx %arg16[%add3A_292] : memref<19220xf32, #tpu.memory_space<vmem>>[vector<16xi32>], vector<16xf32>,
      %mul3A_294 = arith.mulf %gather3A_289, %gather3A_293 : vector<16xf32>
      %add3A_295 = arith.addf %add3A_285, %mul3A_294 : vector<16xf32>
      %add3A_296 = arith.constant 3 : i32
      %add3A_297 = vector.broadcast %add3A_296 : i32 to vector<16xi32>
      %add3A_298 = arith.addi %add3A_247, %add3A_297 : vector<16xi32>
      %gather3A_299 = tpu.vector_load_idx %arg16[%add3A_298] : memref<19220xf32, #tpu.memory_space<vmem>>[vector<16xi32>], vector<16xf32>,
      %add3A_300 = arith.constant 3 : i32
      %add3A_301 = vector.broadcast %add3A_300 : i32 to vector<16xi32>
      %add3A_302 = arith.addi %add3A_253, %add3A_301 : vector<16xi32>
      %gather3A_303 = tpu.vector_load_idx %arg16[%add3A_302] : memref<19220xf32, #tpu.memory_space<vmem>>[vector<16xi32>], vector<16xf32>,
      %mul3A_304 = arith.mulf %gather3A_299, %gather3A_303 : vector<16xf32>
      %add3A_305 = arith.addf %add3A_295, %mul3A_304 : vector<16xf32>
      %add3A_306 = arith.constant 4 : i32
      %add3A_307 = vector.broadcast %add3A_306 : i32 to vector<16xi32>
      %add3A_308 = arith.addi %add3A_247, %add3A_307 : vector<16xi32>
      %gather3A_309 = tpu.vector_load_idx %arg16[%add3A_308] : memref<19220xf32, #tpu.memory_space<vmem>>[vector<16xi32>], vector<16xf32>,
      %add3A_310 = arith.constant 4 : i32
      %add3A_311 = vector.broadcast %add3A_310 : i32 to vector<16xi32>
      %add3A_312 = arith.addi %add3A_253, %add3A_311 : vector<16xi32>
      %gather3A_313 = tpu.vector_load_idx %arg16[%add3A_312] : memref<19220xf32, #tpu.memory_space<vmem>>[vector<16xi32>], vector<16xf32>,
      %mul3A_314 = arith.mulf %gather3A_309, %gather3A_313 : vector<16xf32>
      %add3A_315 = arith.addf %add3A_305, %mul3A_314 : vector<16xf32>
      %get3A_316 = arith.index_cast %mul3A_234 : i32 to index
      %get3A_317 = tpu.vector_load %arg22[%get3A_316] {strides = array<i32>} : memref<512xf32, #tpu.memory_space<vmem>>, vector<16xf32>,
      %add3A_318 = arith.constant 15123 : i32
      %add3A_319 = vector.broadcast %add3A_318 : i32 to vector<16xi32>
      %add3A_320 = arith.addi %add3A_319, %get3A_241 : vector<16xi32>
      %gather3A_321 = tpu.vector_load_idx %arg16[%add3A_320] : memref<19220xf32, #tpu.memory_space<vmem>>[vector<16xi32>], vector<16xf32>,
      %convert_element_type3A = arith.sitofp %get3A_239 : vector<16xi32> to vector<16xf32>
      %sub3A = arith.subf %convert_element_type3A, %gather3A_262 : vector<16xf32>
      %abs3A = math.absf %sub3A : vector<16xf32>
      %bitcast3A = vector.bitcast %abs3A : vector<16xf32> to vector<16xi32>
      %shift_right_arithmetic3A = arith.constant 23 : i32
      %shift_right_arithmetic3A_322 = vector.broadcast %shift_right_arithmetic3A : i32 to vector<16xi32>
      %shift_right_arithmetic3A_323 = arith.shrsi %bitcast3A, %shift_right_arithmetic3A_322 : vector<16xi32>
      %sub3A_324 = arith.constant 127 : i32
      %sub3A_325 = vector.broadcast %sub3A_324 : i32 to vector<16xi32>
      %sub3A_326 = arith.subi %shift_right_arithmetic3A_323, %sub3A_325 : vector<16xi32>
      %convert_element_type3A_327 = arith.sitofp %sub3A_326 : vector<16xi32> to vector<16xf32>
      %and3A = arith.constant 8388607 : i32
      %and3A_328 = vector.broadcast %and3A : i32 to vector<16xi32>
      %and3A_329 = arith.andi %bitcast3A, %and3A_328 : vector<16xi32>
      %or3A = arith.constant 1065353216 : i32
      %or3A_330 = vector.broadcast %or3A : i32 to vector<16xi32>
      %or3A_331 = arith.ori %and3A_329, %or3A_330 : vector<16xi32>
      %bitcast3A_332 = vector.bitcast %or3A_331 : vector<16xi32> to vector<16xf32>
      %sub3A_333 = arith.constant 1.000000e+00 : f32
      %sub3A_334 = vector.broadcast %sub3A_333 : f32 to vector<16xf32>
      %sub3A_335 = arith.subf %bitcast3A_332, %sub3A_334 : vector<16xf32>
      %mul3A_336 = arith.constant -0.0248259846 : f32
      %mul3A_337 = vector.broadcast %mul3A_336 : f32 to vector<16xf32>
      %mul3A_338 = arith.mulf %mul3A_337, %sub3A_335 : vector<16xf32>
      %add3A_339 = arith.constant 0.117906861 : f32
      %add3A_340 = vector.broadcast %add3A_339 : f32 to vector<16xf32>
      %add3A_341 = arith.addf %mul3A_338, %add3A_340 : vector<16xf32>
      %mul3A_342 = arith.mulf %add3A_341, %sub3A_335 : vector<16xf32>
      %add3A_343 = arith.constant -0.272355825 : f32
      %add3A_344 = vector.broadcast %add3A_343 : f32 to vector<16xf32>
      %add3A_345 = arith.addf %mul3A_342, %add3A_344 : vector<16xf32>
      %mul3A_346 = arith.mulf %add3A_345, %sub3A_335 : vector<16xf32>
      %add3A_347 = arith.constant 0.453858197 : f32
      %add3A_348 = vector.broadcast %add3A_347 : f32 to vector<16xf32>
      %add3A_349 = arith.addf %mul3A_346, %add3A_348 : vector<16xf32>
      %mul3A_350 = arith.mulf %add3A_349, %sub3A_335 : vector<16xf32>
      %add3A_351 = arith.constant -0.71698755 : f32
      %add3A_352 = vector.broadcast %add3A_351 : f32 to vector<16xf32>
      %add3A_353 = arith.addf %mul3A_350, %add3A_352 : vector<16xf32>
      %mul3A_354 = arith.mulf %add3A_353, %sub3A_335 : vector<16xf32>
      %add3A_355 = arith.constant 1.44239557 : f32
      %add3A_356 = vector.broadcast %add3A_355 : f32 to vector<16xf32>
      %add3A_357 = arith.addf %mul3A_354, %add3A_356 : vector<16xf32>
      %mul3A_358 = arith.mulf %add3A_357, %sub3A_335 : vector<16xf32>
      %add3A_359 = arith.constant 5.06032802E-6 : f32
      %add3A_360 = vector.broadcast %add3A_359 : f32 to vector<16xf32>
      %add3A_361 = arith.addf %mul3A_358, %add3A_360 : vector<16xf32>
      %add3A_362 = arith.addf %convert_element_type3A_327, %add3A_361 : vector<16xf32>
      %mul3A_363 = arith.constant 0.277258873 : f32
      %mul3A_364 = vector.broadcast %mul3A_363 : f32 to vector<16xf32>
      %mul3A_365 = arith.mulf %add3A_362, %mul3A_364 : vector<16xf32>
      %exp3A = math.exp %mul3A_365 : vector<16xf32>
      %sign3A = tpu.bitcast %sub3A : vector<16xf32> -> vector<16xi32>
      %sign3A_366 = arith.constant -2147483648 : i32
      %sign3A_367 = vector.broadcast %sign3A_366 : i32 to vector<16xi32>
      %sign3A_368 = arith.andi %sign3A, %sign3A_367 : vector<16xi32>
      %sign3A_369 = arith.constant 1065353216 : i32
      %sign3A_370 = vector.broadcast %sign3A_369 : i32 to vector<16xi32>
      %sign3A_371 = arith.ori %sign3A_370, %sign3A_368 : vector<16xi32>
      %sign3A_372 = tpu.bitcast %sign3A_371 : vector<16xi32> -> vector<16xf32>
      %sign3A_373 = math.absf %sub3A : vector<16xf32>
      %sign3A_374 = arith.constant 0.000000e+00 : f32
      %sign3A_375 = vector.broadcast %sign3A_374 : f32 to vector<16xf32>
      %sign3A_376 = arith.cmpf ogt, %sign3A_373, %sign3A_375 : vector<16xf32>
      %sign3A_377 = arith.select %sign3A_376, %sign3A_372, %sub3A : vector<16xi1>, vector<16xf32>
      %mul3A_378 = arith.mulf %sign3A_377, %exp3A : vector<16xf32>
      %add3A_379 = arith.constant 4.16275024 : f32
      %add3A_380 = vector.broadcast %add3A_379 : f32 to vector<16xf32>
      %add3A_381 = arith.addf %add3A_380, %gather3A_254 : vector<16xf32>
      %mul3A_382 = arith.mulf %gather3A_258, %mul3A_378 : vector<16xf32>
      %add3A_383 = arith.addf %add3A_381, %mul3A_382 : vector<16xf32>
      %add3A_384 = arith.addf %add3A_383, %gather3A_321 : vector<16xf32>
      %add3A_385 = arith.addf %add3A_384, %gather3A_266 : vector<16xf32>
      %add3A_386 = arith.addf %add3A_385, %get3A_317 : vector<16xf32>
      %add3A_387 = arith.addf %add3A_386, %add3A_315 : vector<16xf32>
      %mul3A_388 = arith.mulf %add3A_387, %gather3A : vector<16xf32>
      %add3A_389 = arith.addf %mul3A_388, %gather3A_99 : vector<16xf32>
      %swap3A = arith.constant 0 : i32
      %swap3A_390 = arith.index_cast %swap3A : i32 to index
      %swap3A_391 = arith.index_cast %mul3A_234 : i32 to index
      %swap3A_392 = tpu.vector_load %arg23[%swap3A_390, %swap3A_391] {strides = array<i32>} : memref<8x512xf32, #tpu.memory_space<vmem>>, vector<16xf32>,
      tpu.vector_store %arg23[%swap3A_390, %swap3A_391], %add3A_389 {strides = array<i32>} : memref<8x512xf32, #tpu.memory_space<vmem>>, vector<16xf32>,
      %mul3A_393 = arith.mulf %add3A_387, %gather3A_87 : vector<16xf32>
      %add3A_394 = arith.addf %mul3A_393, %gather3A_102 : vector<16xf32>
      %swap3A_395 = arith.constant 1 : i32
      %swap3A_396 = arith.index_cast %swap3A_395 : i32 to index
      %swap3A_397 = arith.index_cast %mul3A_234 : i32 to index
      %swap3A_398 = tpu.vector_load %arg23[%swap3A_396, %swap3A_397] {strides = array<i32>} : memref<8x512xf32, #tpu.memory_space<vmem>>, vector<16xf32>,
      tpu.vector_store %arg23[%swap3A_396, %swap3A_397], %add3A_394 {strides = array<i32>} : memref<8x512xf32, #tpu.memory_space<vmem>>, vector<16xf32>,
      %mul3A_399 = arith.mulf %add3A_387, %gather3A_90 : vector<16xf32>
      %add3A_400 = arith.addf %mul3A_399, %gather3A_105 : vector<16xf32>
      %swap3A_401 = arith.constant 2 : i32
      %swap3A_402 = arith.index_cast %swap3A_401 : i32 to index
      %swap3A_403 = arith.index_cast %mul3A_234 : i32 to index
      %swap3A_404 = tpu.vector_load %arg23[%swap3A_402, %swap3A_403] {strides = array<i32>} : memref<8x512xf32, #tpu.memory_space<vmem>>, vector<16xf32>,
      tpu.vector_store %arg23[%swap3A_402, %swap3A_403], %add3A_400 {strides = array<i32>} : memref<8x512xf32, #tpu.memory_space<vmem>>, vector<16xf32>,
      %mul3A_405 = arith.mulf %add3A_387, %gather3A_93 : vector<16xf32>
      %add3A_406 = arith.addf %mul3A_405, %gather3A_108 : vector<16xf32>
      %swap3A_407 = arith.constant 3 : i32
      %swap3A_408 = arith.index_cast %swap3A_407 : i32 to index
      %swap3A_409 = arith.index_cast %mul3A_234 : i32 to index
      %swap3A_410 = tpu.vector_load %arg23[%swap3A_408, %swap3A_409] {strides = array<i32>} : memref<8x512xf32, #tpu.memory_space<vmem>>, vector<16xf32>,
      tpu.vector_store %arg23[%swap3A_408, %swap3A_409], %add3A_406 {strides = array<i32>} : memref<8x512xf32, #tpu.memory_space<vmem>>, vector<16xf32>,
      %mul3A_411 = arith.mulf %add3A_387, %gather3A_96 : vector<16xf32>
      %add3A_412 = arith.addf %mul3A_411, %gather3A_111 : vector<16xf32>
      %swap3A_413 = arith.constant 4 : i32
      %swap3A_414 = arith.index_cast %swap3A_413 : i32 to index
      %swap3A_415 = arith.index_cast %mul3A_234 : i32 to index
      %swap3A_416 = tpu.vector_load %arg23[%swap3A_414, %swap3A_415] {strides = array<i32>} : memref<8x512xf32, #tpu.memory_space<vmem>>, vector<16xf32>,
      tpu.vector_store %arg23[%swap3A_414, %swap3A_415], %add3A_412 {strides = array<i32>} : memref<8x512xf32, #tpu.memory_space<vmem>>, vector<16xf32>,
    }
    %scan3A_117 = arith.constant 8 : i32
    %add3A_118 = arith.constant 0 : i32
    %add3A_119 = arith.addi %mul3A_2, %add3A_118 : i32
    %dma_start3A_120 = arith.constant 0 : i32
    %dma_start3A_121 = arith.constant 0 : i32
    %dma_start3A_122 = tpu.memref_slice %arg23[%dma_start3A_120, %dma_start3A_121] : memref<8x512xf32, #tpu.memory_space<vmem>> -> memref<5x128xf32, #tpu.memory_space<vmem>>
    %dma_start3A_123 = arith.constant 0 : i32
    %dma_start3A_124 = tpu.memref_slice %arg10[%dma_start3A_123, %add3A_119] : memref<5x16384xf32, #tpu.memory_space<hbm>> -> memref<5x128xf32, #tpu.memory_space<hbm>>
    %dma_start3A_125 = arith.constant 0 : i32
    %dma_start3A_126 = tpu.memref_slice %arg10[%dma_start3A_125, %add3A_119] : memref<5x16384xf32, #tpu.memory_space<hbm>> -> memref<5x128xf32, #tpu.memory_space<hbm>>
    %dma_start3A_127 = arith.constant 0 : i32
    %dma_start3A_128 = arith.constant 0 : i32
    %dma_start3A_129 = tpu.memref_slice %arg23[%dma_start3A_127, %dma_start3A_128] : memref<8x512xf32, #tpu.memory_space<vmem>> -> memref<5x128xf32, #tpu.memory_space<vmem>>
    tpu.enqueue_dma source(%dma_start3A_129 : memref<5x128xf32, #tpu.memory_space<vmem>>) target(%dma_start3A_126 : memref<5x128xf32, #tpu.memory_space<hbm>>) target_semaphore(%arg27 : memref<!tpu.dma_semaphore, #tpu.memory_space<semaphore_mem>>)
    %scan3A_130 = arith.constant 0 : i32
    %scan3A_131 = arith.constant 8 : i32
    %scan3A_132 = arith.constant 8 : i32
    %scan3A_133 = arith.addi %scan3A_131, %scan3A_132 : i32
    %scan3A_134 = arith.constant 1 : i32
    scf.for %scan3A_232 = %scan3A_131 to %scan3A_133 step %scan3A_134  : i32 {
      %mul3A_233 = arith.constant 16 : i32
      %mul3A_234 = arith.muli %scan3A_232, %mul3A_233 : i32
      %get3A = arith.index_cast %mul3A_234 : i32 to index
      %get3A_235 = tpu.vector_load %arg11[%get3A] {strides = array<i32>} : memref<512xi32, #tpu.memory_space<vmem>>, vector<16xi32>,
      %get3A_236 = arith.index_cast %mul3A_234 : i32 to index
      %get3A_237 = tpu.vector_load %arg12[%get3A_236] {strides = array<i32>} : memref<512xi32, #tpu.memory_space<vmem>>, vector<16xi32>,
      %get3A_238 = arith.index_cast %mul3A_234 : i32 to index
      %get3A_239 = tpu.vector_load %arg14[%get3A_238] {strides = array<i32>} : memref<512xi32, #tpu.memory_space<vmem>>, vector<16xi32>,
      %get3A_240 = arith.index_cast %mul3A_234 : i32 to index
      %get3A_241 = tpu.vector_load %arg15[%get3A_240] {strides = array<i32>} : memref<512xi32, #tpu.memory_space<vmem>>, vector<16xi32>,
      %mul3A_242 = arith.constant 5 : i32
      %mul3A_243 = vector.broadcast %mul3A_242 : i32 to vector<16xi32>
      %mul3A_244 = arith.muli %get3A_235, %mul3A_243 : vector<16xi32>
      %add3A_245 = arith.constant 4758 : i32
      %add3A_246 = vector.broadcast %add3A_245 : i32 to vector<16xi32>
      %add3A_247 = arith.addi %add3A_246, %mul3A_244 : vector<16xi32>
      %mul3A_248 = arith.constant 5 : i32
      %mul3A_249 = vector.broadcast %mul3A_248 : i32 to vector<16xi32>
      %mul3A_250 = arith.muli %get3A_237, %mul3A_249 : vector<16xi32>
      %add3A_251 = arith.constant 11458 : i32
      %add3A_252 = vector.broadcast %add3A_251 : i32 to vector<16xi32>
      %add3A_253 = arith.addi %add3A_252, %mul3A_250 : vector<16xi32>
      %gather3A_254 = tpu.vector_load_idx %arg16[%get3A_235] : memref<19220xf32, #tpu.memory_space<vmem>>[vector<16xi32>], vector<16xf32>,
      %add3A_255 = arith.constant 1340 : i32
      %add3A_256 = vector.broadcast %add3A_255 : i32 to vector<16xi32>
      %add3A_257 = arith.addi %add3A_256, %get3A_235 : vector<16xi32>
      %gather3A_258 = tpu.vector_load_idx %arg16[%add3A_257] : memref<19220xf32, #tpu.memory_space<vmem>>[vector<16xi32>], vector<16xf32>,
      %add3A_259 = arith.constant 2680 : i32
      %add3A_260 = vector.broadcast %add3A_259 : i32 to vector<16xi32>
      %add3A_261 = arith.addi %add3A_260, %get3A_235 : vector<16xi32>
      %gather3A_262 = tpu.vector_load_idx %arg16[%add3A_261] : memref<19220xf32, #tpu.memory_space<vmem>>[vector<16xi32>], vector<16xf32>,
      %add3A_263 = arith.constant 4020 : i32
      %add3A_264 = vector.broadcast %add3A_263 : i32 to vector<16xi32>
      %add3A_265 = arith.addi %add3A_264, %get3A_237 : vector<16xi32>
      %gather3A_266 = tpu.vector_load_idx %arg16[%add3A_265] : memref<19220xf32, #tpu.memory_space<vmem>>[vector<16xi32>], vector<16xf32>,
      %add3A_267 = arith.constant 0 : i32
      %add3A_268 = vector.broadcast %add3A_267 : i32 to vector<16xi32>
      %add3A_269 = arith.addi %add3A_247, %add3A_268 : vector<16xi32>
      %gather3A_270 = tpu.vector_load_idx %arg16[%add3A_269] : memref<19220xf32, #tpu.memory_space<vmem>>[vector<16xi32>], vector<16xf32>,
      %add3A_271 = arith.constant 0 : i32
      %add3A_272 = vector.broadcast %add3A_271 : i32 to vector<16xi32>
      %add3A_273 = arith.addi %add3A_253, %add3A_272 : vector<16xi32>
      %gather3A_274 = tpu.vector_load_idx %arg16[%add3A_273] : memref<19220xf32, #tpu.memory_space<vmem>>[vector<16xi32>], vector<16xf32>,
      %mul3A_275 = arith.mulf %gather3A_270, %gather3A_274 : vector<16xf32>
      %add3A_276 = arith.constant 1 : i32
      %add3A_277 = vector.broadcast %add3A_276 : i32 to vector<16xi32>
      %add3A_278 = arith.addi %add3A_247, %add3A_277 : vector<16xi32>
      %gather3A_279 = tpu.vector_load_idx %arg16[%add3A_278] : memref<19220xf32, #tpu.memory_space<vmem>>[vector<16xi32>], vector<16xf32>,
      %add3A_280 = arith.constant 1 : i32
      %add3A_281 = vector.broadcast %add3A_280 : i32 to vector<16xi32>
      %add3A_282 = arith.addi %add3A_253, %add3A_281 : vector<16xi32>
      %gather3A_283 = tpu.vector_load_idx %arg16[%add3A_282] : memref<19220xf32, #tpu.memory_space<vmem>>[vector<16xi32>], vector<16xf32>,
      %mul3A_284 = arith.mulf %gather3A_279, %gather3A_283 : vector<16xf32>
      %add3A_285 = arith.addf %mul3A_275, %mul3A_284 : vector<16xf32>
      %add3A_286 = arith.constant 2 : i32
      %add3A_287 = vector.broadcast %add3A_286 : i32 to vector<16xi32>
      %add3A_288 = arith.addi %add3A_247, %add3A_287 : vector<16xi32>
      %gather3A_289 = tpu.vector_load_idx %arg16[%add3A_288] : memref<19220xf32, #tpu.memory_space<vmem>>[vector<16xi32>], vector<16xf32>,
      %add3A_290 = arith.constant 2 : i32
      %add3A_291 = vector.broadcast %add3A_290 : i32 to vector<16xi32>
      %add3A_292 = arith.addi %add3A_253, %add3A_291 : vector<16xi32>
      %gather3A_293 = tpu.vector_load_idx %arg16[%add3A_292] : memref<19220xf32, #tpu.memory_space<vmem>>[vector<16xi32>], vector<16xf32>,
      %mul3A_294 = arith.mulf %gather3A_289, %gather3A_293 : vector<16xf32>
      %add3A_295 = arith.addf %add3A_285, %mul3A_294 : vector<16xf32>
      %add3A_296 = arith.constant 3 : i32
      %add3A_297 = vector.broadcast %add3A_296 : i32 to vector<16xi32>
      %add3A_298 = arith.addi %add3A_247, %add3A_297 : vector<16xi32>
      %gather3A_299 = tpu.vector_load_idx %arg16[%add3A_298] : memref<19220xf32, #tpu.memory_space<vmem>>[vector<16xi32>], vector<16xf32>,
      %add3A_300 = arith.constant 3 : i32
      %add3A_301 = vector.broadcast %add3A_300 : i32 to vector<16xi32>
      %add3A_302 = arith.addi %add3A_253, %add3A_301 : vector<16xi32>
      %gather3A_303 = tpu.vector_load_idx %arg16[%add3A_302] : memref<19220xf32, #tpu.memory_space<vmem>>[vector<16xi32>], vector<16xf32>,
      %mul3A_304 = arith.mulf %gather3A_299, %gather3A_303 : vector<16xf32>
      %add3A_305 = arith.addf %add3A_295, %mul3A_304 : vector<16xf32>
      %add3A_306 = arith.constant 4 : i32
      %add3A_307 = vector.broadcast %add3A_306 : i32 to vector<16xi32>
      %add3A_308 = arith.addi %add3A_247, %add3A_307 : vector<16xi32>
      %gather3A_309 = tpu.vector_load_idx %arg16[%add3A_308] : memref<19220xf32, #tpu.memory_space<vmem>>[vector<16xi32>], vector<16xf32>,
      %add3A_310 = arith.constant 4 : i32
      %add3A_311 = vector.broadcast %add3A_310 : i32 to vector<16xi32>
      %add3A_312 = arith.addi %add3A_253, %add3A_311 : vector<16xi32>
      %gather3A_313 = tpu.vector_load_idx %arg16[%add3A_312] : memref<19220xf32, #tpu.memory_space<vmem>>[vector<16xi32>], vector<16xf32>,
      %mul3A_314 = arith.mulf %gather3A_309, %gather3A_313 : vector<16xf32>
      %add3A_315 = arith.addf %add3A_305, %mul3A_314 : vector<16xf32>
      %get3A_316 = arith.index_cast %mul3A_234 : i32 to index
      %get3A_317 = tpu.vector_load %arg22[%get3A_316] {strides = array<i32>} : memref<512xf32, #tpu.memory_space<vmem>>, vector<16xf32>,
      %add3A_318 = arith.constant 15123 : i32
      %add3A_319 = vector.broadcast %add3A_318 : i32 to vector<16xi32>
      %add3A_320 = arith.addi %add3A_319, %get3A_241 : vector<16xi32>
      %gather3A_321 = tpu.vector_load_idx %arg16[%add3A_320] : memref<19220xf32, #tpu.memory_space<vmem>>[vector<16xi32>], vector<16xf32>,
      %convert_element_type3A = arith.sitofp %get3A_239 : vector<16xi32> to vector<16xf32>
      %sub3A = arith.subf %convert_element_type3A, %gather3A_262 : vector<16xf32>
      %abs3A = math.absf %sub3A : vector<16xf32>
      %bitcast3A = vector.bitcast %abs3A : vector<16xf32> to vector<16xi32>
      %shift_right_arithmetic3A = arith.constant 23 : i32
      %shift_right_arithmetic3A_322 = vector.broadcast %shift_right_arithmetic3A : i32 to vector<16xi32>
      %shift_right_arithmetic3A_323 = arith.shrsi %bitcast3A, %shift_right_arithmetic3A_322 : vector<16xi32>
      %sub3A_324 = arith.constant 127 : i32
      %sub3A_325 = vector.broadcast %sub3A_324 : i32 to vector<16xi32>
      %sub3A_326 = arith.subi %shift_right_arithmetic3A_323, %sub3A_325 : vector<16xi32>
      %convert_element_type3A_327 = arith.sitofp %sub3A_326 : vector<16xi32> to vector<16xf32>
      %and3A = arith.constant 8388607 : i32
      %and3A_328 = vector.broadcast %and3A : i32 to vector<16xi32>
      %and3A_329 = arith.andi %bitcast3A, %and3A_328 : vector<16xi32>
      %or3A = arith.constant 1065353216 : i32
      %or3A_330 = vector.broadcast %or3A : i32 to vector<16xi32>
      %or3A_331 = arith.ori %and3A_329, %or3A_330 : vector<16xi32>
      %bitcast3A_332 = vector.bitcast %or3A_331 : vector<16xi32> to vector<16xf32>
      %sub3A_333 = arith.constant 1.000000e+00 : f32
      %sub3A_334 = vector.broadcast %sub3A_333 : f32 to vector<16xf32>
      %sub3A_335 = arith.subf %bitcast3A_332, %sub3A_334 : vector<16xf32>
      %mul3A_336 = arith.constant -0.0248259846 : f32
      %mul3A_337 = vector.broadcast %mul3A_336 : f32 to vector<16xf32>
      %mul3A_338 = arith.mulf %mul3A_337, %sub3A_335 : vector<16xf32>
      %add3A_339 = arith.constant 0.117906861 : f32
      %add3A_340 = vector.broadcast %add3A_339 : f32 to vector<16xf32>
      %add3A_341 = arith.addf %mul3A_338, %add3A_340 : vector<16xf32>
      %mul3A_342 = arith.mulf %add3A_341, %sub3A_335 : vector<16xf32>
      %add3A_343 = arith.constant -0.272355825 : f32
      %add3A_344 = vector.broadcast %add3A_343 : f32 to vector<16xf32>
      %add3A_345 = arith.addf %mul3A_342, %add3A_344 : vector<16xf32>
      %mul3A_346 = arith.mulf %add3A_345, %sub3A_335 : vector<16xf32>
      %add3A_347 = arith.constant 0.453858197 : f32
      %add3A_348 = vector.broadcast %add3A_347 : f32 to vector<16xf32>
      %add3A_349 = arith.addf %mul3A_346, %add3A_348 : vector<16xf32>
      %mul3A_350 = arith.mulf %add3A_349, %sub3A_335 : vector<16xf32>
      %add3A_351 = arith.constant -0.71698755 : f32
      %add3A_352 = vector.broadcast %add3A_351 : f32 to vector<16xf32>
      %add3A_353 = arith.addf %mul3A_350, %add3A_352 : vector<16xf32>
      %mul3A_354 = arith.mulf %add3A_353, %sub3A_335 : vector<16xf32>
      %add3A_355 = arith.constant 1.44239557 : f32
      %add3A_356 = vector.broadcast %add3A_355 : f32 to vector<16xf32>
      %add3A_357 = arith.addf %mul3A_354, %add3A_356 : vector<16xf32>
      %mul3A_358 = arith.mulf %add3A_357, %sub3A_335 : vector<16xf32>
      %add3A_359 = arith.constant 5.06032802E-6 : f32
      %add3A_360 = vector.broadcast %add3A_359 : f32 to vector<16xf32>
      %add3A_361 = arith.addf %mul3A_358, %add3A_360 : vector<16xf32>
      %add3A_362 = arith.addf %convert_element_type3A_327, %add3A_361 : vector<16xf32>
      %mul3A_363 = arith.constant 0.277258873 : f32
      %mul3A_364 = vector.broadcast %mul3A_363 : f32 to vector<16xf32>
      %mul3A_365 = arith.mulf %add3A_362, %mul3A_364 : vector<16xf32>
      %exp3A = math.exp %mul3A_365 : vector<16xf32>
      %sign3A = tpu.bitcast %sub3A : vector<16xf32> -> vector<16xi32>
      %sign3A_366 = arith.constant -2147483648 : i32
      %sign3A_367 = vector.broadcast %sign3A_366 : i32 to vector<16xi32>
      %sign3A_368 = arith.andi %sign3A, %sign3A_367 : vector<16xi32>
      %sign3A_369 = arith.constant 1065353216 : i32
      %sign3A_370 = vector.broadcast %sign3A_369 : i32 to vector<16xi32>
      %sign3A_371 = arith.ori %sign3A_370, %sign3A_368 : vector<16xi32>
      %sign3A_372 = tpu.bitcast %sign3A_371 : vector<16xi32> -> vector<16xf32>
      %sign3A_373 = math.absf %sub3A : vector<16xf32>
      %sign3A_374 = arith.constant 0.000000e+00 : f32
      %sign3A_375 = vector.broadcast %sign3A_374 : f32 to vector<16xf32>
      %sign3A_376 = arith.cmpf ogt, %sign3A_373, %sign3A_375 : vector<16xf32>
      %sign3A_377 = arith.select %sign3A_376, %sign3A_372, %sub3A : vector<16xi1>, vector<16xf32>
      %mul3A_378 = arith.mulf %sign3A_377, %exp3A : vector<16xf32>
      %add3A_379 = arith.constant 4.16275024 : f32
      %add3A_380 = vector.broadcast %add3A_379 : f32 to vector<16xf32>
      %add3A_381 = arith.addf %add3A_380, %gather3A_254 : vector<16xf32>
      %mul3A_382 = arith.mulf %gather3A_258, %mul3A_378 : vector<16xf32>
      %add3A_383 = arith.addf %add3A_381, %mul3A_382 : vector<16xf32>
      %add3A_384 = arith.addf %add3A_383, %gather3A_321 : vector<16xf32>
      %add3A_385 = arith.addf %add3A_384, %gather3A_266 : vector<16xf32>
      %add3A_386 = arith.addf %add3A_385, %get3A_317 : vector<16xf32>
      %add3A_387 = arith.addf %add3A_386, %add3A_315 : vector<16xf32>
      %mul3A_388 = arith.mulf %add3A_387, %gather3A : vector<16xf32>
      %add3A_389 = arith.addf %mul3A_388, %gather3A_99 : vector<16xf32>
      %swap3A = arith.constant 0 : i32
      %swap3A_390 = arith.index_cast %swap3A : i32 to index
      %swap3A_391 = arith.index_cast %mul3A_234 : i32 to index
      %swap3A_392 = tpu.vector_load %arg23[%swap3A_390, %swap3A_391] {strides = array<i32>} : memref<8x512xf32, #tpu.memory_space<vmem>>, vector<16xf32>,
      tpu.vector_store %arg23[%swap3A_390, %swap3A_391], %add3A_389 {strides = array<i32>} : memref<8x512xf32, #tpu.memory_space<vmem>>, vector<16xf32>,
      %mul3A_393 = arith.mulf %add3A_387, %gather3A_87 : vector<16xf32>
      %add3A_394 = arith.addf %mul3A_393, %gather3A_102 : vector<16xf32>
      %swap3A_395 = arith.constant 1 : i32
      %swap3A_396 = arith.index_cast %swap3A_395 : i32 to index
      %swap3A_397 = arith.index_cast %mul3A_234 : i32 to index
      %swap3A_398 = tpu.vector_load %arg23[%swap3A_396, %swap3A_397] {strides = array<i32>} : memref<8x512xf32, #tpu.memory_space<vmem>>, vector<16xf32>,
      tpu.vector_store %arg23[%swap3A_396, %swap3A_397], %add3A_394 {strides = array<i32>} : memref<8x512xf32, #tpu.memory_space<vmem>>, vector<16xf32>,
      %mul3A_399 = arith.mulf %add3A_387, %gather3A_90 : vector<16xf32>
      %add3A_400 = arith.addf %mul3A_399, %gather3A_105 : vector<16xf32>
      %swap3A_401 = arith.constant 2 : i32
      %swap3A_402 = arith.index_cast %swap3A_401 : i32 to index
      %swap3A_403 = arith.index_cast %mul3A_234 : i32 to index
      %swap3A_404 = tpu.vector_load %arg23[%swap3A_402, %swap3A_403] {strides = array<i32>} : memref<8x512xf32, #tpu.memory_space<vmem>>, vector<16xf32>,
      tpu.vector_store %arg23[%swap3A_402, %swap3A_403], %add3A_400 {strides = array<i32>} : memref<8x512xf32, #tpu.memory_space<vmem>>, vector<16xf32>,
      %mul3A_405 = arith.mulf %add3A_387, %gather3A_93 : vector<16xf32>
      %add3A_406 = arith.addf %mul3A_405, %gather3A_108 : vector<16xf32>
      %swap3A_407 = arith.constant 3 : i32
      %swap3A_408 = arith.index_cast %swap3A_407 : i32 to index
      %swap3A_409 = arith.index_cast %mul3A_234 : i32 to index
      %swap3A_410 = tpu.vector_load %arg23[%swap3A_408, %swap3A_409] {strides = array<i32>} : memref<8x512xf32, #tpu.memory_space<vmem>>, vector<16xf32>,
      tpu.vector_store %arg23[%swap3A_408, %swap3A_409], %add3A_406 {strides = array<i32>} : memref<8x512xf32, #tpu.memory_space<vmem>>, vector<16xf32>,
      %mul3A_411 = arith.mulf %add3A_387, %gather3A_96 : vector<16xf32>
      %add3A_412 = arith.addf %mul3A_411, %gather3A_111 : vector<16xf32>
      %swap3A_413 = arith.constant 4 : i32
      %swap3A_414 = arith.index_cast %swap3A_413 : i32 to index
      %swap3A_415 = arith.index_cast %mul3A_234 : i32 to index
      %swap3A_416 = tpu.vector_load %arg23[%swap3A_414, %swap3A_415] {strides = array<i32>} : memref<8x512xf32, #tpu.memory_space<vmem>>, vector<16xf32>,
      tpu.vector_store %arg23[%swap3A_414, %swap3A_415], %add3A_412 {strides = array<i32>} : memref<8x512xf32, #tpu.memory_space<vmem>>, vector<16xf32>,
    }
    %scan3A_135 = arith.constant 8 : i32
    %add3A_136 = arith.constant 128 : i32
    %add3A_137 = arith.addi %mul3A_2, %add3A_136 : i32
    %dma_start3A_138 = arith.constant 0 : i32
    %dma_start3A_139 = arith.constant 128 : i32
    %dma_start3A_140 = tpu.memref_slice %arg23[%dma_start3A_138, %dma_start3A_139] : memref<8x512xf32, #tpu.memory_space<vmem>> -> memref<5x128xf32, #tpu.memory_space<vmem>>
    %dma_start3A_141 = arith.constant 0 : i32
    %dma_start3A_142 = tpu.memref_slice %arg10[%dma_start3A_141, %add3A_137] : memref<5x16384xf32, #tpu.memory_space<hbm>> -> memref<5x128xf32, #tpu.memory_space<hbm>>
    %dma_start3A_143 = arith.constant 0 : i32
    %dma_start3A_144 = tpu.memref_slice %arg10[%dma_start3A_143, %add3A_137] : memref<5x16384xf32, #tpu.memory_space<hbm>> -> memref<5x128xf32, #tpu.memory_space<hbm>>
    %dma_start3A_145 = arith.constant 0 : i32
    %dma_start3A_146 = arith.constant 128 : i32
    %dma_start3A_147 = tpu.memref_slice %arg23[%dma_start3A_145, %dma_start3A_146] : memref<8x512xf32, #tpu.memory_space<vmem>> -> memref<5x128xf32, #tpu.memory_space<vmem>>
    tpu.enqueue_dma source(%dma_start3A_147 : memref<5x128xf32, #tpu.memory_space<vmem>>) target(%dma_start3A_144 : memref<5x128xf32, #tpu.memory_space<hbm>>) target_semaphore(%arg27 : memref<!tpu.dma_semaphore, #tpu.memory_space<semaphore_mem>>)
    %scan3A_148 = arith.constant 0 : i32
    %scan3A_149 = arith.constant 16 : i32
    %scan3A_150 = arith.constant 8 : i32
    %scan3A_151 = arith.addi %scan3A_149, %scan3A_150 : i32
    %scan3A_152 = arith.constant 1 : i32
    scf.for %scan3A_232 = %scan3A_149 to %scan3A_151 step %scan3A_152  : i32 {
      %mul3A_233 = arith.constant 16 : i32
      %mul3A_234 = arith.muli %scan3A_232, %mul3A_233 : i32
      %get3A = arith.index_cast %mul3A_234 : i32 to index
      %get3A_235 = tpu.vector_load %arg11[%get3A] {strides = array<i32>} : memref<512xi32, #tpu.memory_space<vmem>>, vector<16xi32>,
      %get3A_236 = arith.index_cast %mul3A_234 : i32 to index
      %get3A_237 = tpu.vector_load %arg12[%get3A_236] {strides = array<i32>} : memref<512xi32, #tpu.memory_space<vmem>>, vector<16xi32>,
      %get3A_238 = arith.index_cast %mul3A_234 : i32 to index
      %get3A_239 = tpu.vector_load %arg14[%get3A_238] {strides = array<i32>} : memref<512xi32, #tpu.memory_space<vmem>>, vector<16xi32>,
      %get3A_240 = arith.index_cast %mul3A_234 : i32 to index
      %get3A_241 = tpu.vector_load %arg15[%get3A_240] {strides = array<i32>} : memref<512xi32, #tpu.memory_space<vmem>>, vector<16xi32>,
      %mul3A_242 = arith.constant 5 : i32
      %mul3A_243 = vector.broadcast %mul3A_242 : i32 to vector<16xi32>
      %mul3A_244 = arith.muli %get3A_235, %mul3A_243 : vector<16xi32>
      %add3A_245 = arith.constant 4758 : i32
      %add3A_246 = vector.broadcast %add3A_245 : i32 to vector<16xi32>
      %add3A_247 = arith.addi %add3A_246, %mul3A_244 : vector<16xi32>
      %mul3A_248 = arith.constant 5 : i32
      %mul3A_249 = vector.broadcast %mul3A_248 : i32 to vector<16xi32>
      %mul3A_250 = arith.muli %get3A_237, %mul3A_249 : vector<16xi32>
      %add3A_251 = arith.constant 11458 : i32
      %add3A_252 = vector.broadcast %add3A_251 : i32 to vector<16xi32>
      %add3A_253 = arith.addi %add3A_252, %mul3A_250 : vector<16xi32>
      %gather3A_254 = tpu.vector_load_idx %arg16[%get3A_235] : memref<19220xf32, #tpu.memory_space<vmem>>[vector<16xi32>], vector<16xf32>,
      %add3A_255 = arith.constant 1340 : i32
      %add3A_256 = vector.broadcast %add3A_255 : i32 to vector<16xi32>
      %add3A_257 = arith.addi %add3A_256, %get3A_235 : vector<16xi32>
      %gather3A_258 = tpu.vector_load_idx %arg16[%add3A_257] : memref<19220xf32, #tpu.memory_space<vmem>>[vector<16xi32>], vector<16xf32>,
      %add3A_259 = arith.constant 2680 : i32
      %add3A_260 = vector.broadcast %add3A_259 : i32 to vector<16xi32>
      %add3A_261 = arith.addi %add3A_260, %get3A_235 : vector<16xi32>
      %gather3A_262 = tpu.vector_load_idx %arg16[%add3A_261] : memref<19220xf32, #tpu.memory_space<vmem>>[vector<16xi32>], vector<16xf32>,
      %add3A_263 = arith.constant 4020 : i32
      %add3A_264 = vector.broadcast %add3A_263 : i32 to vector<16xi32>
      %add3A_265 = arith.addi %add3A_264, %get3A_237 : vector<16xi32>
      %gather3A_266 = tpu.vector_load_idx %arg16[%add3A_265] : memref<19220xf32, #tpu.memory_space<vmem>>[vector<16xi32>], vector<16xf32>,
      %add3A_267 = arith.constant 0 : i32
      %add3A_268 = vector.broadcast %add3A_267 : i32 to vector<16xi32>
      %add3A_269 = arith.addi %add3A_247, %add3A_268 : vector<16xi32>
      %gather3A_270 = tpu.vector_load_idx %arg16[%add3A_269] : memref<19220xf32, #tpu.memory_space<vmem>>[vector<16xi32>], vector<16xf32>,
      %add3A_271 = arith.constant 0 : i32
      %add3A_272 = vector.broadcast %add3A_271 : i32 to vector<16xi32>
      %add3A_273 = arith.addi %add3A_253, %add3A_272 : vector<16xi32>
      %gather3A_274 = tpu.vector_load_idx %arg16[%add3A_273] : memref<19220xf32, #tpu.memory_space<vmem>>[vector<16xi32>], vector<16xf32>,
      %mul3A_275 = arith.mulf %gather3A_270, %gather3A_274 : vector<16xf32>
      %add3A_276 = arith.constant 1 : i32
      %add3A_277 = vector.broadcast %add3A_276 : i32 to vector<16xi32>
      %add3A_278 = arith.addi %add3A_247, %add3A_277 : vector<16xi32>
      %gather3A_279 = tpu.vector_load_idx %arg16[%add3A_278] : memref<19220xf32, #tpu.memory_space<vmem>>[vector<16xi32>], vector<16xf32>,
      %add3A_280 = arith.constant 1 : i32
      %add3A_281 = vector.broadcast %add3A_280 : i32 to vector<16xi32>
      %add3A_282 = arith.addi %add3A_253, %add3A_281 : vector<16xi32>
      %gather3A_283 = tpu.vector_load_idx %arg16[%add3A_282] : memref<19220xf32, #tpu.memory_space<vmem>>[vector<16xi32>], vector<16xf32>,
      %mul3A_284 = arith.mulf %gather3A_279, %gather3A_283 : vector<16xf32>
      %add3A_285 = arith.addf %mul3A_275, %mul3A_284 : vector<16xf32>
      %add3A_286 = arith.constant 2 : i32
      %add3A_287 = vector.broadcast %add3A_286 : i32 to vector<16xi32>
      %add3A_288 = arith.addi %add3A_247, %add3A_287 : vector<16xi32>
      %gather3A_289 = tpu.vector_load_idx %arg16[%add3A_288] : memref<19220xf32, #tpu.memory_space<vmem>>[vector<16xi32>], vector<16xf32>,
      %add3A_290 = arith.constant 2 : i32
      %add3A_291 = vector.broadcast %add3A_290 : i32 to vector<16xi32>
      %add3A_292 = arith.addi %add3A_253, %add3A_291 : vector<16xi32>
      %gather3A_293 = tpu.vector_load_idx %arg16[%add3A_292] : memref<19220xf32, #tpu.memory_space<vmem>>[vector<16xi32>], vector<16xf32>,
      %mul3A_294 = arith.mulf %gather3A_289, %gather3A_293 : vector<16xf32>
      %add3A_295 = arith.addf %add3A_285, %mul3A_294 : vector<16xf32>
      %add3A_296 = arith.constant 3 : i32
      %add3A_297 = vector.broadcast %add3A_296 : i32 to vector<16xi32>
      %add3A_298 = arith.addi %add3A_247, %add3A_297 : vector<16xi32>
      %gather3A_299 = tpu.vector_load_idx %arg16[%add3A_298] : memref<19220xf32, #tpu.memory_space<vmem>>[vector<16xi32>], vector<16xf32>,
      %add3A_300 = arith.constant 3 : i32
      %add3A_301 = vector.broadcast %add3A_300 : i32 to vector<16xi32>
      %add3A_302 = arith.addi %add3A_253, %add3A_301 : vector<16xi32>
      %gather3A_303 = tpu.vector_load_idx %arg16[%add3A_302] : memref<19220xf32, #tpu.memory_space<vmem>>[vector<16xi32>], vector<16xf32>,
      %mul3A_304 = arith.mulf %gather3A_299, %gather3A_303 : vector<16xf32>
      %add3A_305 = arith.addf %add3A_295, %mul3A_304 : vector<16xf32>
      %add3A_306 = arith.constant 4 : i32
      %add3A_307 = vector.broadcast %add3A_306 : i32 to vector<16xi32>
      %add3A_308 = arith.addi %add3A_247, %add3A_307 : vector<16xi32>
      %gather3A_309 = tpu.vector_load_idx %arg16[%add3A_308] : memref<19220xf32, #tpu.memory_space<vmem>>[vector<16xi32>], vector<16xf32>,
      %add3A_310 = arith.constant 4 : i32
      %add3A_311 = vector.broadcast %add3A_310 : i32 to vector<16xi32>
      %add3A_312 = arith.addi %add3A_253, %add3A_311 : vector<16xi32>
      %gather3A_313 = tpu.vector_load_idx %arg16[%add3A_312] : memref<19220xf32, #tpu.memory_space<vmem>>[vector<16xi32>], vector<16xf32>,
      %mul3A_314 = arith.mulf %gather3A_309, %gather3A_313 : vector<16xf32>
      %add3A_315 = arith.addf %add3A_305, %mul3A_314 : vector<16xf32>
      %get3A_316 = arith.index_cast %mul3A_234 : i32 to index
      %get3A_317 = tpu.vector_load %arg22[%get3A_316] {strides = array<i32>} : memref<512xf32, #tpu.memory_space<vmem>>, vector<16xf32>,
      %add3A_318 = arith.constant 15123 : i32
      %add3A_319 = vector.broadcast %add3A_318 : i32 to vector<16xi32>
      %add3A_320 = arith.addi %add3A_319, %get3A_241 : vector<16xi32>
      %gather3A_321 = tpu.vector_load_idx %arg16[%add3A_320] : memref<19220xf32, #tpu.memory_space<vmem>>[vector<16xi32>], vector<16xf32>,
      %convert_element_type3A = arith.sitofp %get3A_239 : vector<16xi32> to vector<16xf32>
      %sub3A = arith.subf %convert_element_type3A, %gather3A_262 : vector<16xf32>
      %abs3A = math.absf %sub3A : vector<16xf32>
      %bitcast3A = vector.bitcast %abs3A : vector<16xf32> to vector<16xi32>
      %shift_right_arithmetic3A = arith.constant 23 : i32
      %shift_right_arithmetic3A_322 = vector.broadcast %shift_right_arithmetic3A : i32 to vector<16xi32>
      %shift_right_arithmetic3A_323 = arith.shrsi %bitcast3A, %shift_right_arithmetic3A_322 : vector<16xi32>
      %sub3A_324 = arith.constant 127 : i32
      %sub3A_325 = vector.broadcast %sub3A_324 : i32 to vector<16xi32>
      %sub3A_326 = arith.subi %shift_right_arithmetic3A_323, %sub3A_325 : vector<16xi32>
      %convert_element_type3A_327 = arith.sitofp %sub3A_326 : vector<16xi32> to vector<16xf32>
      %and3A = arith.constant 8388607 : i32
      %and3A_328 = vector.broadcast %and3A : i32 to vector<16xi32>
      %and3A_329 = arith.andi %bitcast3A, %and3A_328 : vector<16xi32>
      %or3A = arith.constant 1065353216 : i32
      %or3A_330 = vector.broadcast %or3A : i32 to vector<16xi32>
      %or3A_331 = arith.ori %and3A_329, %or3A_330 : vector<16xi32>
      %bitcast3A_332 = vector.bitcast %or3A_331 : vector<16xi32> to vector<16xf32>
      %sub3A_333 = arith.constant 1.000000e+00 : f32
      %sub3A_334 = vector.broadcast %sub3A_333 : f32 to vector<16xf32>
      %sub3A_335 = arith.subf %bitcast3A_332, %sub3A_334 : vector<16xf32>
      %mul3A_336 = arith.constant -0.0248259846 : f32
      %mul3A_337 = vector.broadcast %mul3A_336 : f32 to vector<16xf32>
      %mul3A_338 = arith.mulf %mul3A_337, %sub3A_335 : vector<16xf32>
      %add3A_339 = arith.constant 0.117906861 : f32
      %add3A_340 = vector.broadcast %add3A_339 : f32 to vector<16xf32>
      %add3A_341 = arith.addf %mul3A_338, %add3A_340 : vector<16xf32>
      %mul3A_342 = arith.mulf %add3A_341, %sub3A_335 : vector<16xf32>
      %add3A_343 = arith.constant -0.272355825 : f32
      %add3A_344 = vector.broadcast %add3A_343 : f32 to vector<16xf32>
      %add3A_345 = arith.addf %mul3A_342, %add3A_344 : vector<16xf32>
      %mul3A_346 = arith.mulf %add3A_345, %sub3A_335 : vector<16xf32>
      %add3A_347 = arith.constant 0.453858197 : f32
      %add3A_348 = vector.broadcast %add3A_347 : f32 to vector<16xf32>
      %add3A_349 = arith.addf %mul3A_346, %add3A_348 : vector<16xf32>
      %mul3A_350 = arith.mulf %add3A_349, %sub3A_335 : vector<16xf32>
      %add3A_351 = arith.constant -0.71698755 : f32
      %add3A_352 = vector.broadcast %add3A_351 : f32 to vector<16xf32>
      %add3A_353 = arith.addf %mul3A_350, %add3A_352 : vector<16xf32>
      %mul3A_354 = arith.mulf %add3A_353, %sub3A_335 : vector<16xf32>
      %add3A_355 = arith.constant 1.44239557 : f32
      %add3A_356 = vector.broadcast %add3A_355 : f32 to vector<16xf32>
      %add3A_357 = arith.addf %mul3A_354, %add3A_356 : vector<16xf32>
      %mul3A_358 = arith.mulf %add3A_357, %sub3A_335 : vector<16xf32>
      %add3A_359 = arith.constant 5.06032802E-6 : f32
      %add3A_360 = vector.broadcast %add3A_359 : f32 to vector<16xf32>
      %add3A_361 = arith.addf %mul3A_358, %add3A_360 : vector<16xf32>
      %add3A_362 = arith.addf %convert_element_type3A_327, %add3A_361 : vector<16xf32>
      %mul3A_363 = arith.constant 0.277258873 : f32
      %mul3A_364 = vector.broadcast %mul3A_363 : f32 to vector<16xf32>
      %mul3A_365 = arith.mulf %add3A_362, %mul3A_364 : vector<16xf32>
      %exp3A = math.exp %mul3A_365 : vector<16xf32>
      %sign3A = tpu.bitcast %sub3A : vector<16xf32> -> vector<16xi32>
      %sign3A_366 = arith.constant -2147483648 : i32
      %sign3A_367 = vector.broadcast %sign3A_366 : i32 to vector<16xi32>
      %sign3A_368 = arith.andi %sign3A, %sign3A_367 : vector<16xi32>
      %sign3A_369 = arith.constant 1065353216 : i32
      %sign3A_370 = vector.broadcast %sign3A_369 : i32 to vector<16xi32>
      %sign3A_371 = arith.ori %sign3A_370, %sign3A_368 : vector<16xi32>
      %sign3A_372 = tpu.bitcast %sign3A_371 : vector<16xi32> -> vector<16xf32>
      %sign3A_373 = math.absf %sub3A : vector<16xf32>
      %sign3A_374 = arith.constant 0.000000e+00 : f32
      %sign3A_375 = vector.broadcast %sign3A_374 : f32 to vector<16xf32>
      %sign3A_376 = arith.cmpf ogt, %sign3A_373, %sign3A_375 : vector<16xf32>
      %sign3A_377 = arith.select %sign3A_376, %sign3A_372, %sub3A : vector<16xi1>, vector<16xf32>
      %mul3A_378 = arith.mulf %sign3A_377, %exp3A : vector<16xf32>
      %add3A_379 = arith.constant 4.16275024 : f32
      %add3A_380 = vector.broadcast %add3A_379 : f32 to vector<16xf32>
      %add3A_381 = arith.addf %add3A_380, %gather3A_254 : vector<16xf32>
      %mul3A_382 = arith.mulf %gather3A_258, %mul3A_378 : vector<16xf32>
      %add3A_383 = arith.addf %add3A_381, %mul3A_382 : vector<16xf32>
      %add3A_384 = arith.addf %add3A_383, %gather3A_321 : vector<16xf32>
      %add3A_385 = arith.addf %add3A_384, %gather3A_266 : vector<16xf32>
      %add3A_386 = arith.addf %add3A_385, %get3A_317 : vector<16xf32>
      %add3A_387 = arith.addf %add3A_386, %add3A_315 : vector<16xf32>
      %mul3A_388 = arith.mulf %add3A_387, %gather3A : vector<16xf32>
      %add3A_389 = arith.addf %mul3A_388, %gather3A_99 : vector<16xf32>
      %swap3A = arith.constant 0 : i32
      %swap3A_390 = arith.index_cast %swap3A : i32 to index
      %swap3A_391 = arith.index_cast %mul3A_234 : i32 to index
      %swap3A_392 = tpu.vector_load %arg23[%swap3A_390, %swap3A_391] {strides = array<i32>} : memref<8x512xf32, #tpu.memory_space<vmem>>, vector<16xf32>,
      tpu.vector_store %arg23[%swap3A_390, %swap3A_391], %add3A_389 {strides = array<i32>} : memref<8x512xf32, #tpu.memory_space<vmem>>, vector<16xf32>,
      %mul3A_393 = arith.mulf %add3A_387, %gather3A_87 : vector<16xf32>
      %add3A_394 = arith.addf %mul3A_393, %gather3A_102 : vector<16xf32>
      %swap3A_395 = arith.constant 1 : i32
      %swap3A_396 = arith.index_cast %swap3A_395 : i32 to index
      %swap3A_397 = arith.index_cast %mul3A_234 : i32 to index
      %swap3A_398 = tpu.vector_load %arg23[%swap3A_396, %swap3A_397] {strides = array<i32>} : memref<8x512xf32, #tpu.memory_space<vmem>>, vector<16xf32>,
      tpu.vector_store %arg23[%swap3A_396, %swap3A_397], %add3A_394 {strides = array<i32>} : memref<8x512xf32, #tpu.memory_space<vmem>>, vector<16xf32>,
      %mul3A_399 = arith.mulf %add3A_387, %gather3A_90 : vector<16xf32>
      %add3A_400 = arith.addf %mul3A_399, %gather3A_105 : vector<16xf32>
      %swap3A_401 = arith.constant 2 : i32
      %swap3A_402 = arith.index_cast %swap3A_401 : i32 to index
      %swap3A_403 = arith.index_cast %mul3A_234 : i32 to index
      %swap3A_404 = tpu.vector_load %arg23[%swap3A_402, %swap3A_403] {strides = array<i32>} : memref<8x512xf32, #tpu.memory_space<vmem>>, vector<16xf32>,
      tpu.vector_store %arg23[%swap3A_402, %swap3A_403], %add3A_400 {strides = array<i32>} : memref<8x512xf32, #tpu.memory_space<vmem>>, vector<16xf32>,
      %mul3A_405 = arith.mulf %add3A_387, %gather3A_93 : vector<16xf32>
      %add3A_406 = arith.addf %mul3A_405, %gather3A_108 : vector<16xf32>
      %swap3A_407 = arith.constant 3 : i32
      %swap3A_408 = arith.index_cast %swap3A_407 : i32 to index
      %swap3A_409 = arith.index_cast %mul3A_234 : i32 to index
      %swap3A_410 = tpu.vector_load %arg23[%swap3A_408, %swap3A_409] {strides = array<i32>} : memref<8x512xf32, #tpu.memory_space<vmem>>, vector<16xf32>,
      tpu.vector_store %arg23[%swap3A_408, %swap3A_409], %add3A_406 {strides = array<i32>} : memref<8x512xf32, #tpu.memory_space<vmem>>, vector<16xf32>,
      %mul3A_411 = arith.mulf %add3A_387, %gather3A_96 : vector<16xf32>
      %add3A_412 = arith.addf %mul3A_411, %gather3A_111 : vector<16xf32>
      %swap3A_413 = arith.constant 4 : i32
      %swap3A_414 = arith.index_cast %swap3A_413 : i32 to index
      %swap3A_415 = arith.index_cast %mul3A_234 : i32 to index
      %swap3A_416 = tpu.vector_load %arg23[%swap3A_414, %swap3A_415] {strides = array<i32>} : memref<8x512xf32, #tpu.memory_space<vmem>>, vector<16xf32>,
      tpu.vector_store %arg23[%swap3A_414, %swap3A_415], %add3A_412 {strides = array<i32>} : memref<8x512xf32, #tpu.memory_space<vmem>>, vector<16xf32>,
    }
    %scan3A_153 = arith.constant 8 : i32
    %add3A_154 = arith.constant 256 : i32
    %add3A_155 = arith.addi %mul3A_2, %add3A_154 : i32
    %dma_start3A_156 = arith.constant 0 : i32
    %dma_start3A_157 = arith.constant 256 : i32
    %dma_start3A_158 = tpu.memref_slice %arg23[%dma_start3A_156, %dma_start3A_157] : memref<8x512xf32, #tpu.memory_space<vmem>> -> memref<5x128xf32, #tpu.memory_space<vmem>>
    %dma_start3A_159 = arith.constant 0 : i32
    %dma_start3A_160 = tpu.memref_slice %arg10[%dma_start3A_159, %add3A_155] : memref<5x16384xf32, #tpu.memory_space<hbm>> -> memref<5x128xf32, #tpu.memory_space<hbm>>
    %dma_start3A_161 = arith.constant 0 : i32
    %dma_start3A_162 = tpu.memref_slice %arg10[%dma_start3A_161, %add3A_155] : memref<5x16384xf32, #tpu.memory_space<hbm>> -> memref<5x128xf32, #tpu.memory_space<hbm>>
    %dma_start3A_163 = arith.constant 0 : i32
    %dma_start3A_164 = arith.constant 256 : i32
    %dma_start3A_165 = tpu.memref_slice %arg23[%dma_start3A_163, %dma_start3A_164] : memref<8x512xf32, #tpu.memory_space<vmem>> -> memref<5x128xf32, #tpu.memory_space<vmem>>
    tpu.enqueue_dma source(%dma_start3A_165 : memref<5x128xf32, #tpu.memory_space<vmem>>) target(%dma_start3A_162 : memref<5x128xf32, #tpu.memory_space<hbm>>) target_semaphore(%arg27 : memref<!tpu.dma_semaphore, #tpu.memory_space<semaphore_mem>>)
    %scan3A_166 = arith.constant 0 : i32
    %scan3A_167 = arith.constant 24 : i32
    %scan3A_168 = arith.constant 8 : i32
    %scan3A_169 = arith.addi %scan3A_167, %scan3A_168 : i32
    %scan3A_170 = arith.constant 1 : i32
    scf.for %scan3A_232 = %scan3A_167 to %scan3A_169 step %scan3A_170  : i32 {
      %mul3A_233 = arith.constant 16 : i32
      %mul3A_234 = arith.muli %scan3A_232, %mul3A_233 : i32
      %get3A = arith.index_cast %mul3A_234 : i32 to index
      %get3A_235 = tpu.vector_load %arg11[%get3A] {strides = array<i32>} : memref<512xi32, #tpu.memory_space<vmem>>, vector<16xi32>,
      %get3A_236 = arith.index_cast %mul3A_234 : i32 to index
      %get3A_237 = tpu.vector_load %arg12[%get3A_236] {strides = array<i32>} : memref<512xi32, #tpu.memory_space<vmem>>, vector<16xi32>,
      %get3A_238 = arith.index_cast %mul3A_234 : i32 to index
      %get3A_239 = tpu.vector_load %arg14[%get3A_238] {strides = array<i32>} : memref<512xi32, #tpu.memory_space<vmem>>, vector<16xi32>,
      %get3A_240 = arith.index_cast %mul3A_234 : i32 to index
      %get3A_241 = tpu.vector_load %arg15[%get3A_240] {strides = array<i32>} : memref<512xi32, #tpu.memory_space<vmem>>, vector<16xi32>,
      %mul3A_242 = arith.constant 5 : i32
      %mul3A_243 = vector.broadcast %mul3A_242 : i32 to vector<16xi32>
      %mul3A_244 = arith.muli %get3A_235, %mul3A_243 : vector<16xi32>
      %add3A_245 = arith.constant 4758 : i32
      %add3A_246 = vector.broadcast %add3A_245 : i32 to vector<16xi32>
      %add3A_247 = arith.addi %add3A_246, %mul3A_244 : vector<16xi32>
      %mul3A_248 = arith.constant 5 : i32
      %mul3A_249 = vector.broadcast %mul3A_248 : i32 to vector<16xi32>
      %mul3A_250 = arith.muli %get3A_237, %mul3A_249 : vector<16xi32>
      %add3A_251 = arith.constant 11458 : i32
      %add3A_252 = vector.broadcast %add3A_251 : i32 to vector<16xi32>
      %add3A_253 = arith.addi %add3A_252, %mul3A_250 : vector<16xi32>
      %gather3A_254 = tpu.vector_load_idx %arg16[%get3A_235] : memref<19220xf32, #tpu.memory_space<vmem>>[vector<16xi32>], vector<16xf32>,
      %add3A_255 = arith.constant 1340 : i32
      %add3A_256 = vector.broadcast %add3A_255 : i32 to vector<16xi32>
      %add3A_257 = arith.addi %add3A_256, %get3A_235 : vector<16xi32>
      %gather3A_258 = tpu.vector_load_idx %arg16[%add3A_257] : memref<19220xf32, #tpu.memory_space<vmem>>[vector<16xi32>], vector<16xf32>,
      %add3A_259 = arith.constant 2680 : i32
      %add3A_260 = vector.broadcast %add3A_259 : i32 to vector<16xi32>
      %add3A_261 = arith.addi %add3A_260, %get3A_235 : vector<16xi32>
      %gather3A_262 = tpu.vector_load_idx %arg16[%add3A_261] : memref<19220xf32, #tpu.memory_space<vmem>>[vector<16xi32>], vector<16xf32>,
      %add3A_263 = arith.constant 4020 : i32
      %add3A_264 = vector.broadcast %add3A_263 : i32 to vector<16xi32>
      %add3A_265 = arith.addi %add3A_264, %get3A_237 : vector<16xi32>
      %gather3A_266 = tpu.vector_load_idx %arg16[%add3A_265] : memref<19220xf32, #tpu.memory_space<vmem>>[vector<16xi32>], vector<16xf32>,
      %add3A_267 = arith.constant 0 : i32
      %add3A_268 = vector.broadcast %add3A_267 : i32 to vector<16xi32>
      %add3A_269 = arith.addi %add3A_247, %add3A_268 : vector<16xi32>
      %gather3A_270 = tpu.vector_load_idx %arg16[%add3A_269] : memref<19220xf32, #tpu.memory_space<vmem>>[vector<16xi32>], vector<16xf32>,
      %add3A_271 = arith.constant 0 : i32
      %add3A_272 = vector.broadcast %add3A_271 : i32 to vector<16xi32>
      %add3A_273 = arith.addi %add3A_253, %add3A_272 : vector<16xi32>
      %gather3A_274 = tpu.vector_load_idx %arg16[%add3A_273] : memref<19220xf32, #tpu.memory_space<vmem>>[vector<16xi32>], vector<16xf32>,
      %mul3A_275 = arith.mulf %gather3A_270, %gather3A_274 : vector<16xf32>
      %add3A_276 = arith.constant 1 : i32
      %add3A_277 = vector.broadcast %add3A_276 : i32 to vector<16xi32>
      %add3A_278 = arith.addi %add3A_247, %add3A_277 : vector<16xi32>
      %gather3A_279 = tpu.vector_load_idx %arg16[%add3A_278] : memref<19220xf32, #tpu.memory_space<vmem>>[vector<16xi32>], vector<16xf32>,
      %add3A_280 = arith.constant 1 : i32
      %add3A_281 = vector.broadcast %add3A_280 : i32 to vector<16xi32>
      %add3A_282 = arith.addi %add3A_253, %add3A_281 : vector<16xi32>
      %gather3A_283 = tpu.vector_load_idx %arg16[%add3A_282] : memref<19220xf32, #tpu.memory_space<vmem>>[vector<16xi32>], vector<16xf32>,
      %mul3A_284 = arith.mulf %gather3A_279, %gather3A_283 : vector<16xf32>
      %add3A_285 = arith.addf %mul3A_275, %mul3A_284 : vector<16xf32>
      %add3A_286 = arith.constant 2 : i32
      %add3A_287 = vector.broadcast %add3A_286 : i32 to vector<16xi32>
      %add3A_288 = arith.addi %add3A_247, %add3A_287 : vector<16xi32>
      %gather3A_289 = tpu.vector_load_idx %arg16[%add3A_288] : memref<19220xf32, #tpu.memory_space<vmem>>[vector<16xi32>], vector<16xf32>,
      %add3A_290 = arith.constant 2 : i32
      %add3A_291 = vector.broadcast %add3A_290 : i32 to vector<16xi32>
      %add3A_292 = arith.addi %add3A_253, %add3A_291 : vector<16xi32>
      %gather3A_293 = tpu.vector_load_idx %arg16[%add3A_292] : memref<19220xf32, #tpu.memory_space<vmem>>[vector<16xi32>], vector<16xf32>,
      %mul3A_294 = arith.mulf %gather3A_289, %gather3A_293 : vector<16xf32>
      %add3A_295 = arith.addf %add3A_285, %mul3A_294 : vector<16xf32>
      %add3A_296 = arith.constant 3 : i32
      %add3A_297 = vector.broadcast %add3A_296 : i32 to vector<16xi32>
      %add3A_298 = arith.addi %add3A_247, %add3A_297 : vector<16xi32>
      %gather3A_299 = tpu.vector_load_idx %arg16[%add3A_298] : memref<19220xf32, #tpu.memory_space<vmem>>[vector<16xi32>], vector<16xf32>,
      %add3A_300 = arith.constant 3 : i32
      %add3A_301 = vector.broadcast %add3A_300 : i32 to vector<16xi32>
      %add3A_302 = arith.addi %add3A_253, %add3A_301 : vector<16xi32>
      %gather3A_303 = tpu.vector_load_idx %arg16[%add3A_302] : memref<19220xf32, #tpu.memory_space<vmem>>[vector<16xi32>], vector<16xf32>,
      %mul3A_304 = arith.mulf %gather3A_299, %gather3A_303 : vector<16xf32>
      %add3A_305 = arith.addf %add3A_295, %mul3A_304 : vector<16xf32>
      %add3A_306 = arith.constant 4 : i32
      %add3A_307 = vector.broadcast %add3A_306 : i32 to vector<16xi32>
      %add3A_308 = arith.addi %add3A_247, %add3A_307 : vector<16xi32>
      %gather3A_309 = tpu.vector_load_idx %arg16[%add3A_308] : memref<19220xf32, #tpu.memory_space<vmem>>[vector<16xi32>], vector<16xf32>,
      %add3A_310 = arith.constant 4 : i32
      %add3A_311 = vector.broadcast %add3A_310 : i32 to vector<16xi32>
      %add3A_312 = arith.addi %add3A_253, %add3A_311 : vector<16xi32>
      %gather3A_313 = tpu.vector_load_idx %arg16[%add3A_312] : memref<19220xf32, #tpu.memory_space<vmem>>[vector<16xi32>], vector<16xf32>,
      %mul3A_314 = arith.mulf %gather3A_309, %gather3A_313 : vector<16xf32>
      %add3A_315 = arith.addf %add3A_305, %mul3A_314 : vector<16xf32>
      %get3A_316 = arith.index_cast %mul3A_234 : i32 to index
      %get3A_317 = tpu.vector_load %arg22[%get3A_316] {strides = array<i32>} : memref<512xf32, #tpu.memory_space<vmem>>, vector<16xf32>,
      %add3A_318 = arith.constant 15123 : i32
      %add3A_319 = vector.broadcast %add3A_318 : i32 to vector<16xi32>
      %add3A_320 = arith.addi %add3A_319, %get3A_241 : vector<16xi32>
      %gather3A_321 = tpu.vector_load_idx %arg16[%add3A_320] : memref<19220xf32, #tpu.memory_space<vmem>>[vector<16xi32>], vector<16xf32>,
      %convert_element_type3A = arith.sitofp %get3A_239 : vector<16xi32> to vector<16xf32>
      %sub3A = arith.subf %convert_element_type3A, %gather3A_262 : vector<16xf32>
      %abs3A = math.absf %sub3A : vector<16xf32>
      %bitcast3A = vector.bitcast %abs3A : vector<16xf32> to vector<16xi32>
      %shift_right_arithmetic3A = arith.constant 23 : i32
      %shift_right_arithmetic3A_322 = vector.broadcast %shift_right_arithmetic3A : i32 to vector<16xi32>
      %shift_right_arithmetic3A_323 = arith.shrsi %bitcast3A, %shift_right_arithmetic3A_322 : vector<16xi32>
      %sub3A_324 = arith.constant 127 : i32
      %sub3A_325 = vector.broadcast %sub3A_324 : i32 to vector<16xi32>
      %sub3A_326 = arith.subi %shift_right_arithmetic3A_323, %sub3A_325 : vector<16xi32>
      %convert_element_type3A_327 = arith.sitofp %sub3A_326 : vector<16xi32> to vector<16xf32>
      %and3A = arith.constant 8388607 : i32
      %and3A_328 = vector.broadcast %and3A : i32 to vector<16xi32>
      %and3A_329 = arith.andi %bitcast3A, %and3A_328 : vector<16xi32>
      %or3A = arith.constant 1065353216 : i32
      %or3A_330 = vector.broadcast %or3A : i32 to vector<16xi32>
      %or3A_331 = arith.ori %and3A_329, %or3A_330 : vector<16xi32>
      %bitcast3A_332 = vector.bitcast %or3A_331 : vector<16xi32> to vector<16xf32>
      %sub3A_333 = arith.constant 1.000000e+00 : f32
      %sub3A_334 = vector.broadcast %sub3A_333 : f32 to vector<16xf32>
      %sub3A_335 = arith.subf %bitcast3A_332, %sub3A_334 : vector<16xf32>
      %mul3A_336 = arith.constant -0.0248259846 : f32
      %mul3A_337 = vector.broadcast %mul3A_336 : f32 to vector<16xf32>
      %mul3A_338 = arith.mulf %mul3A_337, %sub3A_335 : vector<16xf32>
      %add3A_339 = arith.constant 0.117906861 : f32
      %add3A_340 = vector.broadcast %add3A_339 : f32 to vector<16xf32>
      %add3A_341 = arith.addf %mul3A_338, %add3A_340 : vector<16xf32>
      %mul3A_342 = arith.mulf %add3A_341, %sub3A_335 : vector<16xf32>
      %add3A_343 = arith.constant -0.272355825 : f32
      %add3A_344 = vector.broadcast %add3A_343 : f32 to vector<16xf32>
      %add3A_345 = arith.addf %mul3A_342, %add3A_344 : vector<16xf32>
      %mul3A_346 = arith.mulf %add3A_345, %sub3A_335 : vector<16xf32>
      %add3A_347 = arith.constant 0.453858197 : f32
      %add3A_348 = vector.broadcast %add3A_347 : f32 to vector<16xf32>
      %add3A_349 = arith.addf %mul3A_346, %add3A_348 : vector<16xf32>
      %mul3A_350 = arith.mulf %add3A_349, %sub3A_335 : vector<16xf32>
      %add3A_351 = arith.constant -0.71698755 : f32
      %add3A_352 = vector.broadcast %add3A_351 : f32 to vector<16xf32>
      %add3A_353 = arith.addf %mul3A_350, %add3A_352 : vector<16xf32>
      %mul3A_354 = arith.mulf %add3A_353, %sub3A_335 : vector<16xf32>
      %add3A_355 = arith.constant 1.44239557 : f32
      %add3A_356 = vector.broadcast %add3A_355 : f32 to vector<16xf32>
      %add3A_357 = arith.addf %mul3A_354, %add3A_356 : vector<16xf32>
      %mul3A_358 = arith.mulf %add3A_357, %sub3A_335 : vector<16xf32>
      %add3A_359 = arith.constant 5.06032802E-6 : f32
      %add3A_360 = vector.broadcast %add3A_359 : f32 to vector<16xf32>
      %add3A_361 = arith.addf %mul3A_358, %add3A_360 : vector<16xf32>
      %add3A_362 = arith.addf %convert_element_type3A_327, %add3A_361 : vector<16xf32>
      %mul3A_363 = arith.constant 0.277258873 : f32
      %mul3A_364 = vector.broadcast %mul3A_363 : f32 to vector<16xf32>
      %mul3A_365 = arith.mulf %add3A_362, %mul3A_364 : vector<16xf32>
      %exp3A = math.exp %mul3A_365 : vector<16xf32>
      %sign3A = tpu.bitcast %sub3A : vector<16xf32> -> vector<16xi32>
      %sign3A_366 = arith.constant -2147483648 : i32
      %sign3A_367 = vector.broadcast %sign3A_366 : i32 to vector<16xi32>
      %sign3A_368 = arith.andi %sign3A, %sign3A_367 : vector<16xi32>
      %sign3A_369 = arith.constant 1065353216 : i32
      %sign3A_370 = vector.broadcast %sign3A_369 : i32 to vector<16xi32>
      %sign3A_371 = arith.ori %sign3A_370, %sign3A_368 : vector<16xi32>
      %sign3A_372 = tpu.bitcast %sign3A_371 : vector<16xi32> -> vector<16xf32>
      %sign3A_373 = math.absf %sub3A : vector<16xf32>
      %sign3A_374 = arith.constant 0.000000e+00 : f32
      %sign3A_375 = vector.broadcast %sign3A_374 : f32 to vector<16xf32>
      %sign3A_376 = arith.cmpf ogt, %sign3A_373, %sign3A_375 : vector<16xf32>
      %sign3A_377 = arith.select %sign3A_376, %sign3A_372, %sub3A : vector<16xi1>, vector<16xf32>
      %mul3A_378 = arith.mulf %sign3A_377, %exp3A : vector<16xf32>
      %add3A_379 = arith.constant 4.16275024 : f32
      %add3A_380 = vector.broadcast %add3A_379 : f32 to vector<16xf32>
      %add3A_381 = arith.addf %add3A_380, %gather3A_254 : vector<16xf32>
      %mul3A_382 = arith.mulf %gather3A_258, %mul3A_378 : vector<16xf32>
      %add3A_383 = arith.addf %add3A_381, %mul3A_382 : vector<16xf32>
      %add3A_384 = arith.addf %add3A_383, %gather3A_321 : vector<16xf32>
      %add3A_385 = arith.addf %add3A_384, %gather3A_266 : vector<16xf32>
      %add3A_386 = arith.addf %add3A_385, %get3A_317 : vector<16xf32>
      %add3A_387 = arith.addf %add3A_386, %add3A_315 : vector<16xf32>
      %mul3A_388 = arith.mulf %add3A_387, %gather3A : vector<16xf32>
      %add3A_389 = arith.addf %mul3A_388, %gather3A_99 : vector<16xf32>
      %swap3A = arith.constant 0 : i32
      %swap3A_390 = arith.index_cast %swap3A : i32 to index
      %swap3A_391 = arith.index_cast %mul3A_234 : i32 to index
      %swap3A_392 = tpu.vector_load %arg23[%swap3A_390, %swap3A_391] {strides = array<i32>} : memref<8x512xf32, #tpu.memory_space<vmem>>, vector<16xf32>,
      tpu.vector_store %arg23[%swap3A_390, %swap3A_391], %add3A_389 {strides = array<i32>} : memref<8x512xf32, #tpu.memory_space<vmem>>, vector<16xf32>,
      %mul3A_393 = arith.mulf %add3A_387, %gather3A_87 : vector<16xf32>
      %add3A_394 = arith.addf %mul3A_393, %gather3A_102 : vector<16xf32>
      %swap3A_395 = arith.constant 1 : i32
      %swap3A_396 = arith.index_cast %swap3A_395 : i32 to index
      %swap3A_397 = arith.index_cast %mul3A_234 : i32 to index
      %swap3A_398 = tpu.vector_load %arg23[%swap3A_396, %swap3A_397] {strides = array<i32>} : memref<8x512xf32, #tpu.memory_space<vmem>>, vector<16xf32>,
      tpu.vector_store %arg23[%swap3A_396, %swap3A_397], %add3A_394 {strides = array<i32>} : memref<8x512xf32, #tpu.memory_space<vmem>>, vector<16xf32>,
      %mul3A_399 = arith.mulf %add3A_387, %gather3A_90 : vector<16xf32>
      %add3A_400 = arith.addf %mul3A_399, %gather3A_105 : vector<16xf32>
      %swap3A_401 = arith.constant 2 : i32
      %swap3A_402 = arith.index_cast %swap3A_401 : i32 to index
      %swap3A_403 = arith.index_cast %mul3A_234 : i32 to index
      %swap3A_404 = tpu.vector_load %arg23[%swap3A_402, %swap3A_403] {strides = array<i32>} : memref<8x512xf32, #tpu.memory_space<vmem>>, vector<16xf32>,
      tpu.vector_store %arg23[%swap3A_402, %swap3A_403], %add3A_400 {strides = array<i32>} : memref<8x512xf32, #tpu.memory_space<vmem>>, vector<16xf32>,
      %mul3A_405 = arith.mulf %add3A_387, %gather3A_93 : vector<16xf32>
      %add3A_406 = arith.addf %mul3A_405, %gather3A_108 : vector<16xf32>
      %swap3A_407 = arith.constant 3 : i32
      %swap3A_408 = arith.index_cast %swap3A_407 : i32 to index
      %swap3A_409 = arith.index_cast %mul3A_234 : i32 to index
      %swap3A_410 = tpu.vector_load %arg23[%swap3A_408, %swap3A_409] {strides = array<i32>} : memref<8x512xf32, #tpu.memory_space<vmem>>, vector<16xf32>,
      tpu.vector_store %arg23[%swap3A_408, %swap3A_409], %add3A_406 {strides = array<i32>} : memref<8x512xf32, #tpu.memory_space<vmem>>, vector<16xf32>,
      %mul3A_411 = arith.mulf %add3A_387, %gather3A_96 : vector<16xf32>
      %add3A_412 = arith.addf %mul3A_411, %gather3A_111 : vector<16xf32>
      %swap3A_413 = arith.constant 4 : i32
      %swap3A_414 = arith.index_cast %swap3A_413 : i32 to index
      %swap3A_415 = arith.index_cast %mul3A_234 : i32 to index
      %swap3A_416 = tpu.vector_load %arg23[%swap3A_414, %swap3A_415] {strides = array<i32>} : memref<8x512xf32, #tpu.memory_space<vmem>>, vector<16xf32>,
      tpu.vector_store %arg23[%swap3A_414, %swap3A_415], %add3A_412 {strides = array<i32>} : memref<8x512xf32, #tpu.memory_space<vmem>>, vector<16xf32>,
    }
    %scan3A_171 = arith.constant 8 : i32
    %add3A_172 = arith.constant 384 : i32
    %add3A_173 = arith.addi %mul3A_2, %add3A_172 : i32
    %dma_start3A_174 = arith.constant 0 : i32
    %dma_start3A_175 = arith.constant 384 : i32
    %dma_start3A_176 = tpu.memref_slice %arg23[%dma_start3A_174, %dma_start3A_175] : memref<8x512xf32, #tpu.memory_space<vmem>> -> memref<5x128xf32, #tpu.memory_space<vmem>>
    %dma_start3A_177 = arith.constant 0 : i32
    %dma_start3A_178 = tpu.memref_slice %arg10[%dma_start3A_177, %add3A_173] : memref<5x16384xf32, #tpu.memory_space<hbm>> -> memref<5x128xf32, #tpu.memory_space<hbm>>
    %dma_start3A_179 = arith.constant 0 : i32
    %dma_start3A_180 = tpu.memref_slice %arg10[%dma_start3A_179, %add3A_173] : memref<5x16384xf32, #tpu.memory_space<hbm>> -> memref<5x128xf32, #tpu.memory_space<hbm>>
    %dma_start3A_181 = arith.constant 0 : i32
    %dma_start3A_182 = arith.constant 384 : i32
    %dma_start3A_183 = tpu.memref_slice %arg23[%dma_start3A_181, %dma_start3A_182] : memref<8x512xf32, #tpu.memory_space<vmem>> -> memref<5x128xf32, #tpu.memory_space<vmem>>
    tpu.enqueue_dma source(%dma_start3A_183 : memref<5x128xf32, #tpu.memory_space<vmem>>) target(%dma_start3A_180 : memref<5x128xf32, #tpu.memory_space<hbm>>) target_semaphore(%arg27 : memref<!tpu.dma_semaphore, #tpu.memory_space<semaphore_mem>>)
    "tpu.trace_stop"() : () -> ()
    "tpu.trace_start"() <{level = 10 : i32, message = "out_wait"}> : () -> ()
    %add3A_184 = arith.constant 0 : i32
    %add3A_185 = arith.addi %mul3A_2, %add3A_184 : i32
    %dma_wait3A_186 = arith.constant 0 : i32
    %dma_wait3A_187 = arith.constant 0 : i32
    %dma_wait3A_188 = tpu.memref_slice %arg23[%dma_wait3A_186, %dma_wait3A_187] : memref<8x512xf32, #tpu.memory_space<vmem>> -> memref<5x128xf32, #tpu.memory_space<vmem>>
    %dma_wait3A_189 = arith.constant 0 : i32
    %dma_wait3A_190 = tpu.memref_slice %arg10[%dma_wait3A_189, %add3A_185] : memref<5x16384xf32, #tpu.memory_space<hbm>> -> memref<5x128xf32, #tpu.memory_space<hbm>>
    %dma_wait3A_191 = arith.constant 0 : i32
    %dma_wait3A_192 = tpu.memref_slice %arg10[%dma_wait3A_191, %add3A_185] : memref<5x16384xf32, #tpu.memory_space<hbm>> -> memref<5x128xf32, #tpu.memory_space<hbm>>
    %dma_wait3A_193 = arith.constant 0 : i32
    %dma_wait3A_194 = arith.constant 0 : i32
    %dma_wait3A_195 = tpu.memref_slice %arg23[%dma_wait3A_193, %dma_wait3A_194] : memref<8x512xf32, #tpu.memory_space<vmem>> -> memref<5x128xf32, #tpu.memory_space<vmem>>
    tpu.wait_dma2 semaphore(%arg27 : memref<!tpu.dma_semaphore, #tpu.memory_space<semaphore_mem>>) src(%dma_wait3A_195 : memref<5x128xf32, #tpu.memory_space<vmem>>) dst(%dma_wait3A_192 : memref<5x128xf32, #tpu.memory_space<hbm>>)
    %add3A_196 = arith.constant 128 : i32
    %add3A_197 = arith.addi %mul3A_2, %add3A_196 : i32
    %dma_wait3A_198 = arith.constant 0 : i32
    %dma_wait3A_199 = arith.constant 128 : i32
    %dma_wait3A_200 = tpu.memref_slice %arg23[%dma_wait3A_198, %dma_wait3A_199] : memref<8x512xf32, #tpu.memory_space<vmem>> -> memref<5x128xf32, #tpu.memory_space<vmem>>
    %dma_wait3A_201 = arith.constant 0 : i32
    %dma_wait3A_202 = tpu.memref_slice %arg10[%dma_wait3A_201, %add3A_197] : memref<5x16384xf32, #tpu.memory_space<hbm>> -> memref<5x128xf32, #tpu.memory_space<hbm>>
    %dma_wait3A_203 = arith.constant 0 : i32
    %dma_wait3A_204 = tpu.memref_slice %arg10[%dma_wait3A_203, %add3A_197] : memref<5x16384xf32, #tpu.memory_space<hbm>> -> memref<5x128xf32, #tpu.memory_space<hbm>>
    %dma_wait3A_205 = arith.constant 0 : i32
    %dma_wait3A_206 = arith.constant 128 : i32
    %dma_wait3A_207 = tpu.memref_slice %arg23[%dma_wait3A_205, %dma_wait3A_206] : memref<8x512xf32, #tpu.memory_space<vmem>> -> memref<5x128xf32, #tpu.memory_space<vmem>>
    tpu.wait_dma2 semaphore(%arg27 : memref<!tpu.dma_semaphore, #tpu.memory_space<semaphore_mem>>) src(%dma_wait3A_207 : memref<5x128xf32, #tpu.memory_space<vmem>>) dst(%dma_wait3A_204 : memref<5x128xf32, #tpu.memory_space<hbm>>)
    %add3A_208 = arith.constant 256 : i32
    %add3A_209 = arith.addi %mul3A_2, %add3A_208 : i32
    %dma_wait3A_210 = arith.constant 0 : i32
    %dma_wait3A_211 = arith.constant 256 : i32
    %dma_wait3A_212 = tpu.memref_slice %arg23[%dma_wait3A_210, %dma_wait3A_211] : memref<8x512xf32, #tpu.memory_space<vmem>> -> memref<5x128xf32, #tpu.memory_space<vmem>>
    %dma_wait3A_213 = arith.constant 0 : i32
    %dma_wait3A_214 = tpu.memref_slice %arg10[%dma_wait3A_213, %add3A_209] : memref<5x16384xf32, #tpu.memory_space<hbm>> -> memref<5x128xf32, #tpu.memory_space<hbm>>
    %dma_wait3A_215 = arith.constant 0 : i32
    %dma_wait3A_216 = tpu.memref_slice %arg10[%dma_wait3A_215, %add3A_209] : memref<5x16384xf32, #tpu.memory_space<hbm>> -> memref<5x128xf32, #tpu.memory_space<hbm>>
    %dma_wait3A_217 = arith.constant 0 : i32
    %dma_wait3A_218 = arith.constant 256 : i32
    %dma_wait3A_219 = tpu.memref_slice %arg23[%dma_wait3A_217, %dma_wait3A_218] : memref<8x512xf32, #tpu.memory_space<vmem>> -> memref<5x128xf32, #tpu.memory_space<vmem>>
    tpu.wait_dma2 semaphore(%arg27 : memref<!tpu.dma_semaphore, #tpu.memory_space<semaphore_mem>>) src(%dma_wait3A_219 : memref<5x128xf32, #tpu.memory_space<vmem>>) dst(%dma_wait3A_216 : memref<5x128xf32, #tpu.memory_space<hbm>>)
    %add3A_220 = arith.constant 384 : i32
    %add3A_221 = arith.addi %mul3A_2, %add3A_220 : i32
    %dma_wait3A_222 = arith.constant 0 : i32
    %dma_wait3A_223 = arith.constant 384 : i32
    %dma_wait3A_224 = tpu.memref_slice %arg23[%dma_wait3A_222, %dma_wait3A_223] : memref<8x512xf32, #tpu.memory_space<vmem>> -> memref<5x128xf32, #tpu.memory_space<vmem>>
    %dma_wait3A_225 = arith.constant 0 : i32
    %dma_wait3A_226 = tpu.memref_slice %arg10[%dma_wait3A_225, %add3A_221] : memref<5x16384xf32, #tpu.memory_space<hbm>> -> memref<5x128xf32, #tpu.memory_space<hbm>>
    %dma_wait3A_227 = arith.constant 0 : i32
    %dma_wait3A_228 = tpu.memref_slice %arg10[%dma_wait3A_227, %add3A_221] : memref<5x16384xf32, #tpu.memory_space<hbm>> -> memref<5x128xf32, #tpu.memory_space<hbm>>
    %dma_wait3A_229 = arith.constant 0 : i32
    %dma_wait3A_230 = arith.constant 384 : i32
    %dma_wait3A_231 = tpu.memref_slice %arg23[%dma_wait3A_229, %dma_wait3A_230] : memref<8x512xf32, #tpu.memory_space<vmem>> -> memref<5x128xf32, #tpu.memory_space<vmem>>
    tpu.wait_dma2 semaphore(%arg27 : memref<!tpu.dma_semaphore, #tpu.memory_space<semaphore_mem>>) src(%dma_wait3A_231 : memref<5x128xf32, #tpu.memory_space<vmem>>) dst(%dma_wait3A_228 : memref<5x128xf32, #tpu.memory_space<hbm>>)
    "tpu.trace_stop"() : () -> ()
    return
  }
}

</mosaic_0001>

<sc_bundles>
// kernel: kernel.3.cloned.1.call-start
scs
__scs_entry_jumppad:
0x0: {  	(pc) =	sbr.rel $0x88, $3  }
0x1: {  	(tag) =	ssettag $0x0;
	lr =	simm.s32 $0x1  }
0x2: {  	[smem:$0x3F92] =	sst lr;
	_ =	strace $0xD0000000  }
0x3: {  	_ = 	snop  }
0x4: {  	_ = 	snop  }
0x5: {  	_ = 	snop  }
0x6: {  	_ = 	snop  }
0x7: {  	_ = 	snop  }
__scs_overlays_trampoline_lowered:
0x8: {  	[smem:$0x3FA1] =	sst s0  }
0x9: {  	[smem:$0x3FA2] =	sst s1  }
0xa: {  	[smem:$0x3FA3] =	sst s2  }
0xb: {  	[smem:$0x3FA4] =	sst s3  }
0xc: {  	[smem:$0x3FA5] =	sst s4  }
0xd: {  	[smem:$0x3FA6] =	sst s5  }
0xe: {  	[smem:$0x3FA7] =	sst s6  }
0xf: {  	[smem:$0x3FA8] =	sst s7  }
0x10: {  	[smem:$0x3FA9] =	sst s8  }
0x11: {  	[smem:$0x3FAA] =	sst s9;
	s0 =	simm.s32 @!p0 $0x0  }
0x12: {  	s1 =	sld [smem:$0x3F90];
	s0 =	simm.s32 @p0 $0x1  }
0x13: {  	[smem:$0x3FAB] =	sst s0;
	s0 =	simm.s32 @!p1 $0x0  }
0x14: {  	s2 =	sld [smem:$0x3F8F];
	s0 =	simm.s32 @p1 $0x1  }
0x15: {  	[smem:$0x3FAC] =	sst s0;
	s0 =	simm.s32 @!p2 $0x0  }
0x16: {  	s3 =	sld [smem:$0x3FDB];
	s0 =	simm.s32 @p2 $0x1  }
0x17: {  	s4 =	simm.s32 $0x1BF5;
	[smem:$0x3FAE] =	sst s0  }
0x18: {  	s0 =	sld [smem:$0x3F91];
	_ =	swait.ge [sflag:s4], $0x0  }
0x19: {  	s7 =	sld [smem:$0x3F92]  }
0x1a: {  	s8 =	sadd.s32 $0xFFFFE003, lr  }
0x1b: {  	s9 =	sadd.s32 $0xFFFFFEF7, lr;
	s5 =	simm.s32 $0xFFFFFFFF;
	p2 =	slt.u32 s8, $0xFFFFF086  }
0x1c: {  	p1 =	slt.u32 s9, $0xF7A;
	s5 =	simm.s32 @!p2 $0x0  }
0x1d: {  	s5 =	simm.s32 @p1 $0x1;
	p0 =	seq.s32 s7, s2  }
0x1e: {  	s7 =	smul.u32 @!p0 $0xF7A, s2;
	p2 =	seq.s32 @!p0 s5, $0x0  }
0x1f: {  	s9 =	smul.u32 $0xF7A, s1;
	s8 =	simm.s32 @!p0 $0x1BF5;
	p2 =	por !p2, p0  }
0x20: {  	[sflag:s8] =	ssyncset.s32 @!p0 $0xFFFFF086;
	s6 =	sadd.s32 @!p0 s3, s7;
	s7 =	simm.s32 @!p0 $0x108  }
0x21: {  	s3 =	sadd.s32 s3, s9;
	s6 =	sadd.s32 @!p0 $0x88, s6;
	s7 =	simm.s32 @p2 $0x1082  }
0x22: {  	[simem:s7], [sflag:s8] =	dma.local @!p0 [hbm:s6], $0xF7A  }
0x23: {  	s9 =	sor.u32 $0xD0000000, s2;
	s6 =	simm.s32 $0x108;
	_ =	swait.ge @!p0 [sflag:s8], $0x0  }
0x24: {  	s3 =	sadd.s32 $0x88, s3;
	s6 =	simm.s32 @!p1 $0x1082;
	[sflag:s4] =	ssyncset.s32 $0xFFFFF086  }
0x25: {  	[simem:s6], [sflag:s4] =	dma.local [hbm:s3], $0xF7A  }
0x26: {  	[smem:$0x3F92] =	sst s1;
	(tag) =	ssettag s2;
	_ =	strace s9  }
0x27: {  	s1 =	sld [smem:$0x3FA2]  }
0x28: {  	s2 =	sld [smem:$0x3FA3]  }
0x29: {  	s4 =	sld [smem:$0x3FA5]  }
0x2a: {  	p0 =	seq.s32 s5, $0x0;
	s5 =	sld [smem:$0x3FA6]  }
0x2b: {  	s6 =	sld [smem:$0x3FA7]  }
0x2c: {  	s7 =	sld [smem:$0x3FA8]  }
0x2d: {  	s3 =	simm.s32 $0x108;
	s8 =	sld [smem:$0x3FA9]  }
0x2e: {  	s3 =	simm.s32 @!p0 $0x1082;
	s9 =	sld [smem:$0x3FAA]  }
0x2f: {  	lr =	sadd.s32 s0, s3;
	s0 =	sld [smem:$0x3FA1]  }
0x30: {  	s3 =	sld [smem:$0x3FA4]  }
0x31: {  	[smem:$0x3FAD] =	sst s10  }
0x32: {  	s10 =	sld [smem:$0x3FAB];
	_ =	sdelay $0x3  }
0x33: {  	p0 =	seq.s32 s10, $0x1;
	s10 =	sld [smem:$0x3FAD];
	_ =	sdelay $0x3  }
0x34: {  	[smem:$0x3FAD] =	sst s10  }
0x35: {  	s10 =	sld [smem:$0x3FAC];
	_ =	sdelay $0x3  }
0x36: {  	p1 =	seq.s32 s10, $0x1;
	s10 =	sld [smem:$0x3FAD];
	_ =	sdelay $0x3  }
0x37: {  	[smem:$0x3FAD] =	sst s10  }
0x38: {  	s10 =	sld [smem:$0x3FAE]  }
0x39: {  	_ = 	snop;
	(pc) =	sbr.ind lr, $3  }
0x3a: {  	_ = 	snop  }
0x3b: {  	_ = 	snop  }
0x3c: {  	p2 =	seq.s32 s10, $0x1;
	s10 =	sld [smem:$0x3FAD]  }
0x3d: {  	_ =	shalt  }
0x3e: {  	_ =	shalt  }
0x3f: {  	_ =	shalt  }
0x40: {  	_ =	shalt  }
0x41: {  	_ =	shalt  }
0x42: {  	_ =	shalt  }
0x43: {  	_ =	shalt  }
0x44: {  	_ =	shalt  }
0x45: {  	_ =	shalt  }
0x46: {  	_ =	shalt  }
0x47: {  	_ =	shalt  }
0x48: {  	_ =	shalt  }
0x49: {  	_ =	shalt  }
0x4a: {  	_ =	shalt  }
0x4b: {  	_ =	shalt  }
0x4c: {  	_ =	shalt  }
0x4d: {  	_ =	shalt  }
0x4e: {  	_ =	shalt  }
0x4f: {  	_ =	shalt  }
0x50: {  	_ =	shalt  }
0x51: {  	_ =	shalt  }
0x52: {  	_ =	shalt  }
0x53: {  	_ =	shalt  }
0x54: {  	_ =	shalt  }
0x55: {  	_ =	shalt  }
0x56: {  	_ =	shalt  }
0x57: {  	_ =	shalt  }
0x58: {  	_ =	shalt  }
0x59: {  	_ =	shalt  }
0x5a: {  	_ =	shalt  }
0x5b: {  	_ =	shalt  }
0x5c: {  	_ =	shalt  }
0x5d: {  	_ =	shalt  }
0x5e: {  	_ =	shalt  }
0x5f: {  	_ =	shalt  }
0x60: {  	_ =	shalt  }
0x61: {  	_ =	shalt  }
0x62: {  	_ =	shalt  }
0x63: {  	_ =	shalt  }
0x64: {  	_ =	shalt  }
0x65: {  	_ =	shalt  }
0x66: {  	_ =	shalt  }
0x67: {  	_ =	shalt  }
0x68: {  	_ =	shalt  }
0x69: {  	_ =	shalt  }
0x6a: {  	_ =	shalt  }
0x6b: {  	_ =	shalt  }
0x6c: {  	_ =	shalt  }
0x6d: {  	_ =	shalt  }
0x6e: {  	_ =	shalt  }
0x6f: {  	_ =	shalt  }
0x70: {  	_ =	shalt  }
0x71: {  	_ =	shalt  }
0x72: {  	_ =	shalt  }
0x73: {  	_ =	shalt  }
0x74: {  	_ =	shalt  }
0x75: {  	_ =	shalt  }
0x76: {  	_ =	shalt  }
0x77: {  	_ =	shalt  }
0x78: {  	_ =	shalt  }
0x79: {  	_ =	shalt  }
0x7a: {  	_ =	shalt  }
0x7b: {  	_ =	shalt  }
0x7c: {  	_ =	shalt  }
0x7d: {  	_ =	shalt  }
0x7e: {  	_ =	shalt  }
0x7f: {  	_ =	shalt  }
0x80: {  	_ =	shalt  }
0x81: {  	_ =	shalt  }
0x82: {  	_ =	shalt  }
0x83: {  	_ =	shalt  }
0x84: {  	_ =	shalt  }
0x85: {  	_ =	shalt  }
0x86: {  	_ =	shalt  }
0x87: {  	_ =	shalt  }
.Lfunc_end0:
.L_simem_size_0:
called_computation_lowered:
.L_overlay_start_0:
0x88: {  	s2 =	sld [smem:$0x3FD9]  }
0x89: {  	s3 =	sld [smem:$0x3FFE];
	_ =	sdelay $0x1  }
0x8a: {  	s1 =	srdreg.scid  }
0x8b: {  	s0 =	sand.u32 $0x1, s1  }
0x8c: {  	s17 =	sshll.u32 s0, $0xA;
	s2 =	sadd.s32 s3, s2  }
0x8d: {  	s2 =	sadd.s32 s2, s17  }
0x8e: {  	[smem:$0x3FB9] =	sst s2  }
0x8f: {  	_ = 	snop  }
0x90: {  	s2 =	sld [smem:$0x3FC9]  }
0x91: {  	s18 =	sld [smem:$0x3FC8]  }
0x92: {  	s4 =	sld [smem:$0x3FC7]  }
0x93: {  	s5 =	sld [smem:$0x3FC6]  }
0x94: {  	s6 =	sld [smem:$0x3FC5]  }
0x95: {  	s7 =	sld [smem:$0x3FBB]  }
0x96: {  	s8 =	sld [smem:$0x3FD0];
	(tm) =	ssettm $0x1  }
0x97: {  	s9 =	sld [smem:$0x3FFB];
	_ =	sdelay $0x3  }
0x98: {  	_ =	strace s9  }
0x99: {  	s9 =	sld [smem:$0x3FFC];
	_ =	sdelay $0x3  }
0x9a: {  	_ =	strace s9  }
0x9b: {  	s9 =	sld [smem:$0x3FFD];
	_ =	sdelay $0x3  }
0x9c: {  	_ =	strace s9  }
0x9d: {  	_ =	strace $0x8FFFFFFF  }
0x9e: {  	s19 =	sld [smem:$0x3FDB];
	_ =	sdelay $0x1  }
0x9f: {  	s10 =	simm.s32 $_scs_section_size  }
0xa0: {  	s11 =	simm.s32 $_size__tile_overlayer_lowered;
	s12 =	simm.s32 $_tile_overlayer_lowered  }
0xa1: {  	s22 =	simm.s32 $0x1BFF;
	s21 =	sshll.u32 s12, $0x1;
	s9 =	sadd.s32 s10, s19  }
0xa2: {  	s13 =	simm.s32 $0x0;
	s20 =	sshll.u32 s11, $0x1;
	s11 =	sadd.s32 s21, s9  }
0xa3: {  	[timem:s13], [sflag:s22] =	dma.local [hbm:s11], s20  }
0xa4: {  	_ =	swait.ge [sflag:s22], s20  }
0xa5: {  	s10 =	ssub.s32 $0x0, s20;
	[sflag:s22] =	ssyncset.done $0x0  }
0xa6: {  	[sflag:s22] =	ssyncadd.s32 s10;
	_ =	sdelay $0x1  }
0xa7: {  	s23 =	simm.s32 $0x1B8B  }
0xa8: {  	_ =	swait.ge [sflag:s23], $0x1  }
0xa9: {  	[sflag:s23] =	ssyncset.done $0x0  }
0xaa: {  	s25 =	simm.s32 $0x1B8E;
	s24 =	sld [smem:$0x3FFE];
	[sflag:s23] =	ssyncadd.s32 $0xFFFFFFFF  }
0xab: {  	s26 =	simm.s32 $execute0_lowered;
	[smem:$0x3FD2] =	sst s25  }
0xac: {  	s11 =	sshll.u32 s26, $0x1;
	_ =	strace $0x80000046;
	[dreg:$0x1] =	wrdreg $0xFFFFFFFF  }
0xad: {  	s28 =	simm.s32 $_size_execute0_lowered;
	s9 =	sadd.s32 s9, s11;
	[dreg:$0x0] =	wrdreg $0x0  }
0xae: {  	s11 =	sshll.u32 s28, $0x1;
	[dreg:$0x2] =	wrdreg s9  }
0xaf: {  	[dreg:$0x3] =	wrdreg s11  }
0xb0: {  	[dreg:$0x4] =	wrdreg $0xC0  }
0xb1: {  	_ =	task [dreg:s13], $0x5FFFF  }
0xb2: {  	[dreg:$0x1] =	wrdreg $0xFFFFFFFF  }
0xb3: {  	[dreg:$0x0] =	wrdreg $0x60  }
0xb4: {  	[dreg:$0x2] =	wrdreg s2  }
0xb5: {  	[dreg:$0x3] =	wrdreg s18  }
0xb6: {  	[dreg:$0x4] =	wrdreg s4  }
0xb7: {  	[dreg:$0x5] =	wrdreg s5  }
0xb8: {  	[dreg:$0x6] =	wrdreg s6  }
0xb9: {  	[dreg:$0x7] =	wrdreg s24  }
0xba: {  	[dreg:$0x8] =	wrdreg s7  }
0xbb: {  	[dreg:$0x9] =	wrdreg s8  }
0xbc: {  	[dreg:$0xa] =	wrdreg $0x9  }
0xbd: {  	_ =	task.clear_ibuf [dreg:s13], $0xBFFFF;
	_ =	strace $0x90000046  }
0xbe: {  	s29 =	simm.s32 $0x9;
	_ =	strace $0x8000004D  }
0xbf: {  	_ =	swait.ge [sflag:s29], $0x1  }
0xc0: {  	[sflag:s29] =	ssyncadd.s32 $0xFFFFFFFF  }
0xc1: {  	_ =	strace $0x9000004D  }
0xc2: {  	_ =	sfence  }
0xc3: {  	s30 =	sld [smem:$0x0];
	_ =	sdelay $0x2  }
0xc4: {  	s31 =	sshll.u32 s1, $0xD;
	s1 =	sshrl.u32 s1, $0x2  }
0xc5: {  	s3 =	sand.u32 $0x4000, s31;
	s1 =	sadd.s32 s1, s30  }
0xc6: {  	s0 =	sor.u32 s3, s0;
	s1 =	sshll.u32 s1, $0x11  }
0xc7: {  	s0 =	sor.u32 s1, s0  }
0xc8: {  	s0 =	sadd.s32 $0x8F2B, s0  }
0xc9: {  	[sflag:s0] =	ssyncadd.remote.s32 $0x1  }
0xca: {  	_ =	sfence.sel $0xFFFF  }
0xcb: {  	[dreg:$0x0] =	wrdreg $0xFFFFFFFF;
	(pc) =	sbr.abs _section_cstart, $3  }
0xcc: {  	[dreg:$0x1] =	wrdreg $0xFFFFFFFF  }
0xcd: {  	_ =	task.clear_ibuf [dreg:s13], $0x2FFFF;
	_ =	strace $0x9FFFFFFF  }
0xce: {  	(tm) =	ssettm $0x7FFFFFFF  }
0xcf: {  	_ =	shalt  }
tec
execute0_lowered:
.L_overlay_start_1:
0x0: {  	(tag) =	ssettag $0x1  }
0x1: {  	s0 =	rddreg [dreg:$0x0]  }
0x2: {  	s1 =	rddreg [dreg:$0x1]  }
0x3: {  	s2 =	rddreg [dreg:$0x2]  }
0x4: {  	s9 =	rddreg [dreg:$0x3]  }
0x5: {  	s10 =	rddreg [dreg:$0x4]  }
0x6: {  	s5 =	rddreg [dreg:$0x5]  }
0x7: {  	s11 =	rddreg [dreg:$0x7];
	s3 =	simm.s32 $0x0;
	s4 =	srdreg.scid  }
0x8: {  	s7 =	stileid.u32;
	s16 =	simm.s32 $0xA00;
	s19 =	simm.s32 $0x400  }
0x9: {  	s22 =	simm.s32 $0x1;
	s23 =	simm.s32 $0x80;
	s17 =	simm.s32 $0x5580  }
0xa: {  	s18 =	simm.s32 $0x20000;
	s20 =	simm.s32 $0x5A00;
	s21 =	simm.s32 $0x5E00  }
0xb: {  	s24 =	simm.s32 $0x6200;
	s25 =	simm.s32 $0x6600;
	s26 =	simm.s32 $0x4  }
0xc: {  	s28 =	simm.s32 $0x0;
	[smem:$0x7FF] =	sst s3;
	s4 =	sand.u32 $0x1, s4  }
0xd: {  	s7 =	sshll.u32 s7, $0xA;
	s30 =	sadd.s32 $0x2400, s5;
	s5 =	sadd.s32 $0xE00, s5  }
0xe: {  	_ =	strace $0x80000047;
	s6 =	ssub.s32 $0x2, s4;
	s8 =	sshll.u32 s4, $0x9  }
0xf: {  	[dreg:$0x9] =	wrdreg s30;
	s12 =	sshrl.u32 s6, $0x1;
	s13 =	sor.u32 s8, s7  }
0x10: {  	s15 =	ssub.s32 s6, s12;
	s31 =	sshrl.u32 s13, $0x3;
	s11 =	sadd.s32 s11, s13  }
0x11: {  	v0 =	vimm.s32 $0x1291;
	v1 =	vimm.s32 $0x1292;
	v2 =	vimm.s32 $0x1293;
	s0 =	sadd.s32 s0, s31;
	s7 =	sadd.s32 s1, s31;
	s8 =	sadd.s32 s2, s31  }
0x12: {  	v3 =	vimm.s32 $0x1294;
	v4 =	vimm.s32 $0x1295;
	v5 =	vimm.s32 $0x8;
	s9 =	sadd.s32 s9, s31;
	s10 =	sadd.s32 s10, s31;
	s12 =	sadd.s32 $0x80, s11  }
0x13: {  	v6 =	vimm.s32 $0x9;
	v7 =	vimm.s32 $0xA;
	v10 =	vimm.f32 $1.000000000e+00;
	s13 =	sadd.s32 $0x100, s11;
	s14 =	sadd.s32 $0x180, s11;
	s15 =	smax.u32 s15, $0x1  }
0x14: {  	v8 =	vimm.s32 $0xB;
	v9 =	vimm.s32 $0xC;
	v10 =	vand.u32 $0x7FFFFFFF, v10;
	s2 =	simm.s32 $0x2;
	s1 =	simm.s32 $0x3;
	[dreg:$0xa] =	wrdreg s0  }
.LBB2_1:
0x15: {  	s0 =	rddreg [dreg:$0x9]  }
0x16: {  	[tilespmem:s16], [sflag:$0x2] =	stream.linear.gather [hbm4b:s0+s3], $0x4B80, $0x38;
	[tilespmem:$0x6A00] =	vst v63  }
0x17: {  	s31 =	rddreg [dreg:$0x6];
	s4 =	simm.s32 $0x5588  }
0x18: {  	[tilespmem:s4], [sflag:$0x2] =	stream.linear.gather [hbm4b:s31+s3], $0x5, $0x38;
	[tilespmem:$0x6A00] =	vst v63  }
0x19: {  	s4 =	rddreg [dreg:$0xa]  }
0x1a: {  	[tilespmem:s3], [sflag:$0x1] =	stream.linear.gather [hbm4b:s4+s3], $0x200, $0x38;
	[tilespmem:$0x6A00] =	vst v63  }
0x1b: {  	s6 =	simm.s32 $0x200  }
0x1c: {  	[tilespmem:s6], [sflag:$0x1] =	stream.linear.gather [hbm4b:s7+s3], $0x200, $0x38;
	[tilespmem:$0x6A00] =	vst v63  }
0x1d: {  	_ = 	snop  }
0x1e: {  	[tilespmem:s19], [sflag:$0x1] =	stream.linear.gather [hbm4b:s8+s3], $0x200, $0x38;
	[tilespmem:$0x6A00] =	vst v63  }
0x1f: {  	s31 =	simm.s32 $0x600  }
0x20: {  	[tilespmem:s31], [sflag:$0x1] =	stream.linear.gather [hbm4b:s9+s3], $0x200, $0x38;
	[tilespmem:$0x6A00] =	vst v63  }
0x21: {  	s4 =	simm.s32 $0x800  }
0x22: {  	[tilespmem:s4], [sflag:$0x1] =	stream.linear.gather [hbm4b:s10+s3], $0x200, $0x38;
	[tilespmem:$0x6A00] =	vst v63  }
0x23: {  	_ =	strace $0x80000048  }
0x24: {  	_ =	swait.ge [sflag:s22], $0x200  }
0x25: {  	[sflag:s22] =	ssyncset.done $0x0  }
0x26: {  	[sflag:s22] =	ssyncadd.s32 $0xFFFFFE00  }
0x27: {  	_ =	swait.ge [sflag:s22], $0x200  }
0x28: {  	[sflag:s22] =	ssyncset.done $0x0  }
0x29: {  	[sflag:s22] =	ssyncadd.s32 $0xFFFFFE00  }
0x2a: {  	_ =	swait.ge [sflag:s22], $0x200  }
0x2b: {  	[sflag:s22] =	ssyncset.done $0x0  }
0x2c: {  	[sflag:s22] =	ssyncadd.s32 $0xFFFFFE00  }
0x2d: {  	_ =	swait.ge [sflag:s22], $0x200  }
0x2e: {  	[sflag:s22] =	ssyncset.done $0x0  }
0x2f: {  	[sflag:s22] =	ssyncadd.s32 $0xFFFFFE00  }
0x30: {  	_ =	swait.ge [sflag:s22], $0x200  }
0x31: {  	[sflag:s22] =	ssyncset.done $0x0  }
0x32: {  	[sflag:s22] =	ssyncadd.s32 $0xFFFFFE00  }
0x33: {  	_ =	strace $0x90000048  }
0x34: {  	v11 =	vld [tilespmem:$0x200]  }
0x35: {  	v12 =	vld [tilespmem:$0x400]  }
0x36: {  	v13 =	vld [tilespmem:$0x210]  }
0x37: {  	v14 =	vld [tilespmem:$0x410]  }
0x38: {  	v15 =	vld [tilespmem:$0x220]  }
0x39: {  	v16 =	vld [tilespmem:$0x420]  }
0x3a: {  	v17 =	vld [tilespmem:$0x230]  }
0x3b: {  	v18 =	vld [tilespmem:$0x430]  }
0x3c: {  	v19 =	vld [tilespmem:$0x240]  }
0x3d: {  	v20 =	vld [tilespmem:$0x440]  }
0x3e: {  	v21 =	vld [tilespmem:$0x250]  }
0x3f: {  	v22 =	vld [tilespmem:$0x450]  }
0x40: {  	v23 =	vld [tilespmem:$0x260]  }
0x41: {  	v24 =	vld [tilespmem:$0x460]  }
0x42: {  	v25 =	vld [tilespmem:$0x270]  }
0x43: {  	v26 =	vld [tilespmem:$0x470]  }
0x44: {  	v27 =	vld [tilespmem:$0x280]  }
0x45: {  	v28 =	vld [tilespmem:$0x480]  }
0x46: {  	v29 =	vld [tilespmem:$0x290]  }
0x47: {  	v30 =	vld [tilespmem:$0x490]  }
0x48: {  	v31 =	vld [tilespmem:$0x2A0]  }
0x49: {  	v32 =	vld [tilespmem:$0x4A0]  }
0x4a: {  	v33 =	vld [tilespmem:$0x2B0]  }
0x4b: {  	v34 =	vld [tilespmem:$0x4B0]  }
0x4c: {  	v35 =	vld [tilespmem:$0x2C0]  }
0x4d: {  	v36 =	vld [tilespmem:$0x4C0]  }
0x4e: {  	v37 =	vld [tilespmem:$0x2D0]  }
0x4f: {  	v38 =	vld [tilespmem:$0x4D0]  }
0x50: {  	v39 =	vld [tilespmem:$0x2E0]  }
0x51: {  	v40 =	vld [tilespmem:$0x4E0]  }
0x52: {  	v41 =	vld [tilespmem:$0x2F0]  }
0x53: {  	v42 =	vld [tilespmem:$0x4F0]  }
0x54: {  	v43 =	vld [tilespmem:$0x300]  }
0x55: {  	v44 =	vld [tilespmem:$0x500]  }
0x56: {  	v45 =	vld [tilespmem:$0x310]  }
0x57: {  	v46 =	vld [tilespmem:$0x510];
	v11 =	vmul.u32 $0x3C, v11  }
0x58: {  	v47 =	vld [tilespmem:$0x320];
	v13 =	vmul.u32 $0x3C, v13  }
0x59: {  	v11 =	vadd.s32 v12, v11;
	v12 =	vmul.u32 $0x3C, v15;
	v15 =	vld [tilespmem:$0x520]  }
0x5a: {  	[tilespmem:$0x5600] =	vst v11;
	v11 =	vadd.s32 v14, v13;
	v13 =	vmul.u32 $0x3C, v17;
	v14 =	vld [tilespmem:$0x330]  }
0x5b: {  	v17 =	vld [tilespmem:$0x340];
	[tilespmem:$0x5610] =	vst v11;
	v11 =	vadd.s32 v16, v12;
	v12 =	vmul.u32 $0x3C, v19  }
0x5c: {  	v16 =	vld [tilespmem:$0x530];
	[tilespmem:$0x5620] =	vst v11;
	v11 =	vadd.s32 v18, v13;
	v13 =	vmul.u32 $0x3C, v21  }
0x5d: {  	v19 =	vld [tilespmem:$0x350];
	[tilespmem:$0x5630] =	vst v11;
	v11 =	vadd.s32 v20, v12;
	v12 =	vmul.u32 $0x3C, v23  }
0x5e: {  	v18 =	vld [tilespmem:$0x540];
	[tilespmem:$0x5640] =	vst v11;
	v11 =	vadd.s32 v22, v13;
	v13 =	vmul.u32 $0x3C, v25  }
0x5f: {  	v21 =	vld [tilespmem:$0x360];
	[tilespmem:$0x5650] =	vst v11;
	v11 =	vadd.s32 v24, v12;
	v12 =	vmul.u32 $0x3C, v27  }
0x60: {  	v20 =	vld [tilespmem:$0x550];
	[tilespmem:$0x5660] =	vst v11;
	v11 =	vadd.s32 v26, v13;
	v13 =	vmul.u32 $0x3C, v29  }
0x61: {  	v23 =	vld [tilespmem:$0x370];
	[tilespmem:$0x5670] =	vst v11;
	v11 =	vadd.s32 v28, v12;
	v12 =	vmul.u32 $0x3C, v31  }
0x62: {  	v22 =	vld [tilespmem:$0x560];
	[tilespmem:$0x5680] =	vst v11;
	v11 =	vadd.s32 v30, v13;
	v13 =	vmul.u32 $0x3C, v33  }
0x63: {  	v33 =	vld [tilespmem:$0x570];
	[tilespmem:$0x5690] =	vst v11;
	v11 =	vadd.s32 v32, v12;
	v12 =	vmul.u32 $0x3C, v35  }
0x64: {  	v35 =	vld [tilespmem:$0x380];
	[tilespmem:$0x56A0] =	vst v11;
	v11 =	vadd.s32 v34, v13;
	v13 =	vmul.u32 $0x3C, v37  }
0x65: {  	v37 =	vld [tilespmem:$0x580];
	[tilespmem:$0x56B0] =	vst v11;
	v11 =	vadd.s32 v36, v12;
	v12 =	vmul.u32 $0x3C, v39  }
0x66: {  	v39 =	vld [tilespmem:$0x390];
	[tilespmem:$0x56C0] =	vst v11;
	v11 =	vadd.s32 v38, v13;
	v13 =	vmul.u32 $0x3C, v41  }
0x67: {  	v41 =	vld [tilespmem:$0x590];
	[tilespmem:$0x56D0] =	vst v11;
	v11 =	vadd.s32 v40, v12;
	v12 =	vmul.u32 $0x3C, v43  }
0x68: {  	v43 =	vld [tilespmem:$0x3A0];
	[tilespmem:$0x56E0] =	vst v11;
	v11 =	vadd.s32 v42, v13;
	v13 =	vmul.u32 $0x3C, v45  }
0x69: {  	[tilespmem:$0x56F0] =	vst v11;
	v11 =	vadd.s32 v44, v12;
	v12 =	vmul.u32 $0x3C, v47;
	v44 =	vld [tilespmem:$0x5A0]  }
0x6a: {  	[tilespmem:$0x5700] =	vst v11;
	v11 =	vadd.s32 v46, v13;
	v13 =	vmul.u32 $0x3C, v14;
	v14 =	vld [tilespmem:$0x3B0]  }
0x6b: {  	[tilespmem:$0x5710] =	vst v11;
	v11 =	vadd.s32 v15, v12;
	v12 =	vmul.u32 $0x3C, v17;
	v15 =	vld [tilespmem:$0x5B0]  }
0x6c: {  	v17 =	vld [tilespmem:$0x5C0];
	[tilespmem:$0x5720] =	vst v11;
	v11 =	vadd.s32 v16, v13;
	v13 =	vmul.u32 $0x3C, v19  }
0x6d: {  	v16 =	vld [tilespmem:$0x3C0];
	[tilespmem:$0x5730] =	vst v11;
	v11 =	vadd.s32 v18, v12;
	v12 =	vmul.u32 $0x3C, v21  }
0x6e: {  	v19 =	vld [tilespmem:$0x5D0];
	[tilespmem:$0x5740] =	vst v11;
	v11 =	vadd.s32 v20, v13;
	v13 =	vmul.u32 $0x3C, v23  }
0x6f: {  	v18 =	vld [tilespmem:$0x3D0];
	[tilespmem:$0x5750] =	vst v11;
	v11 =	vadd.s32 v22, v12;
	v12 =	vmul.u32 $0x3C, v35  }
0x70: {  	v20 =	vld [tilespmem:$0x3E0];
	[tilespmem:$0x5760] =	vst v11;
	v11 =	vadd.s32 v33, v13;
	v13 =	vmul.u32 $0x3C, v39  }
0x71: {  	v21 =	vld [tilespmem:$0x3F0];
	[tilespmem:$0x5770] =	vst v11;
	v11 =	vadd.s32 v37, v12;
	v12 =	vmul.u32 $0x3C, v43  }
0x72: {  	[tilespmem:$0x5780] =	vst v11;
	v11 =	vadd.s32 v41, v13;
	v13 =	vmul.u32 $0x3C, v14;
	v14 =	vld [tilespmem:$0x5E0]  }
0x73: {  	[tilespmem:$0x5790] =	vst v11;
	v11 =	vadd.s32 v44, v12;
	v12 =	vmul.u32 $0x3C, v16;
	v16 =	vld [tilespmem:$0x5F0]  }
0x74: {  	[tilespmem:$0x57A0] =	vst v11;
	v11 =	vadd.s32 v15, v13;
	v13 =	vmul.u32 $0x3C, v18  }
0x75: {  	[tilespmem:$0x57B0] =	vst v11;
	v11 =	vadd.s32 v17, v12;
	v12 =	vmul.u32 $0x3C, v20  }
0x76: {  	[tilespmem:$0x57C0] =	vst v11;
	v11 =	vadd.s32 v19, v13;
	v13 =	vmul.u32 $0x3C, v21  }
0x77: {  	[tilespmem:$0x57D0] =	vst v11;
	v11 =	vadd.s32 v14, v12  }
0x78: {  	[tilespmem:$0x57E0] =	vst v11;
	v11 =	vadd.s32 v16, v13  }
0x79: {  	s6 =	simm.s32 $0x5600;
	s31 =	simm.s32 $0x5800;
	[tilespmem:$0x57F0] =	vst v11  }
0x7a: {  	[tilespmem:s31], [sflag:$0x3] =	stream.indirect.gather [hbm4b:s5+s23], $0x1, s6, s23, $0xb8;
	[tilespmem:$0x6A00] =	vst v63  }
0x7b: {  	s6 =	simm.s32 $0x5680;
	s31 =	simm.s32 $0x5880  }
0x7c: {  	[tilespmem:s31], [sflag:$0x3] =	stream.indirect.gather [hbm4b:s5+s23], $0x1, s6, s23, $0xb8;
	[tilespmem:$0x6A00] =	vst v63  }
0x7d: {  	s6 =	simm.s32 $0x5700;
	s31 =	simm.s32 $0x5900  }
0x7e: {  	[tilespmem:s31], [sflag:$0x3] =	stream.indirect.gather [hbm4b:s5+s23], $0x1, s6, s23, $0xb8;
	[tilespmem:$0x6A00] =	vst v63  }
0x7f: {  	s6 =	simm.s32 $0x5780;
	s31 =	simm.s32 $0x5980  }
0x80: {  	[tilespmem:s31], [sflag:$0x3] =	stream.indirect.gather [hbm4b:s5+s23], $0x1, s6, s23, $0xb8;
	[tilespmem:$0x6A00] =	vst v63  }
0x81: {  	_ =	strace $0x80000049  }
0x82: {  	_ =	swait.ge [sflag:s2], $0x4B80  }
0x83: {  	[sflag:s2] =	ssyncset.done $0x0  }
0x84: {  	[sflag:s2] =	ssyncadd.s32 $0xFFFFB480  }
0x85: {  	_ =	swait.ge [sflag:s2], $0x5  }
0x86: {  	[sflag:s2] =	ssyncset.done $0x0  }
0x87: {  	[sflag:s2] =	ssyncadd.s32 $0xFFFFFFFB  }
0x88: {  	_ =	strace $0x90000049  }
0x89: {  	_ =	strace $0x8000004A  }
0x8a: {  	_ =	swait.ge [sflag:s1], $0x80  }
0x8b: {  	[sflag:s1] =	ssyncset.done $0x0  }
0x8c: {  	[sflag:s1] =	ssyncadd.s32 $0xFFFFFF80  }
0x8d: {  	_ =	swait.ge [sflag:s1], $0x80  }
0x8e: {  	[sflag:s1] =	ssyncset.done $0x0  }
0x8f: {  	[sflag:s1] =	ssyncadd.s32 $0xFFFFFF80  }
0x90: {  	_ =	swait.ge [sflag:s1], $0x80  }
0x91: {  	[sflag:s1] =	ssyncset.done $0x0  }
0x92: {  	[sflag:s1] =	ssyncadd.s32 $0xFFFFFF80  }
0x93: {  	_ =	swait.ge [sflag:s1], $0x80  }
0x94: {  	[sflag:s1] =	ssyncset.done $0x0  }
0x95: {  	[sflag:s1] =	ssyncadd.s32 $0xFFFFFF80  }
0x96: {  	_ =	strace $0x9000004A  }
0x97: {  	v12 =	vld.idx.msk [tilespmem:v0+s16+$0x0], $0xffff  }
0x98: {  	v15 =	vld.idx.msk [tilespmem:v1+s16+$0x0], $0xffff  }
0x99: {  	v18 =	vld.idx.msk [tilespmem:v2+s16+$0x0], $0xffff  }
0x9a: {  	v13 =	vld.idx.msk [tilespmem:v3+s16+$0x0], $0xffff  }
0x9b: {  	v19 =	vld.idx.msk [tilespmem:v4+s16+$0x0], $0xffff  }
0x9c: {  	v11 =	vld.idx.msk [tilespmem:v5+s17+$0x0], $0xffff  }
0x9d: {  	v16 =	vld.idx.msk [tilespmem:v6+s17+$0x0], $0xffff  }
0x9e: {  	v17 =	vld.idx.msk [tilespmem:v7+s17+$0x0], $0xffff  }
0x9f: {  	v14 =	vld.idx.msk [tilespmem:v8+s17+$0x0], $0xffff  }
0xa0: {  	s29 =	simm.s32 $0x0;
	v20 =	vld.idx.msk [tilespmem:v9+s17+$0x0], $0xffff;
	_ =	strace $0x8000004B  }
0xa1: {  	v21 =	vld [tilespmem:s29+$0x0];
	_ =	sdelay $0x4  }
0xa2: {  	v22 =	vadd.s32 $0xA78, v21;
	_ =	sdelay $0x2  }
0xa3: {  	v23 =	vld [tilespmem:s29+$0x600];
	_ =	sdelay $0x1  }
0xa4: {  	v22 =	vld.idx.msk [tilespmem:v22+s16+$0x0], $0xffff;
	_ =	sdelay $0x2  }
0xa5: {  	v23 =	vcvt.s32.f32 v23;
	_ =	sdelay $0x1  }
0xa6: {  	v22 =	vsub.f32 v23, v22;
	_ =	sdelay $0x1  }
0xa7: {  	v23 =	vand.u32 $0x7FFFFFFF, v22  }
0xa8: {  	v45 =	vand.u32 $0x7FFFFF, v23  }
0xa9: {  	v24 =	vor.u32 $0x3F800000, v45  }
0xaa: {  	v24 =	vadd.f32 $-1.000000000e+00, v24;
	_ =	sdelay $0x1  }
0xab: {  	v46 =	vmul.f32 $-2.482598460e-02, v24;
	_ =	sdelay $0x1  }
0xac: {  	v25 =	vadd.f32 $1.179068610e-01, v46;
	_ =	sdelay $0x1  }
0xad: {  	v25 =	vmul.f32 v25, v24;
	_ =	sdelay $0x1  }
0xae: {  	v25 =	vadd.f32 $-2.723558250e-01, v25;
	_ =	sdelay $0x1  }
0xaf: {  	v25 =	vmul.f32 v25, v24;
	_ =	sdelay $0x1  }
0xb0: {  	v25 =	vadd.f32 $4.538581970e-01, v25;
	_ =	sdelay $0x1  }
0xb1: {  	v25 =	vmul.f32 v25, v24;
	_ =	sdelay $0x1  }
0xb2: {  	v25 =	vadd.f32 $-7.169875500e-01, v25;
	_ =	sdelay $0x1  }
0xb3: {  	v25 =	vmul.f32 v25, v24;
	_ =	sdelay $0x1  }
0xb4: {  	v25 =	vadd.f32 $1.442395570e+00, v25;
	_ =	sdelay $0x1  }
0xb5: {  	v47 =	vld [tilespmem:s29+$0x200];
	v23 =	vshrl.u32 v23, $0x17;
	v24 =	vmul.f32 v25, v24  }
0xb6: {  	v52 =	vld [tilespmem:s29+$0x800];
	v23 =	vadd.s32 $0xFFFFFF81, v23  }
0xb7: {  	v23 =	vcvt.s32.f32 v23;
	v24 =	vadd.f32 $5.060328020e-06, v24;
	_ =	sdelay $0x1  }
0xb8: {  	v23 =	vadd.f32 v23, v24;
	_ =	sdelay $0x1  }
0xb9: {  	v48 =	vmul.u32 $0x5, v47;
	v29 =	vadd.s32 $0x3B13, v52;
	v23 =	vmul.f32 $2.772588730e-01, v23  }
0xba: {  	v50 =	vmul.u32 $0x5, v21;
	v26 =	vadd.s32 $0xFB4, v47  }
0xbb: {  	v51 =	vadd.s32 $0x2CC3, v48;
	v23 =	vmul.f32 $1.442695020e+00, v23  }
0xbc: {  	v53 =	vadd.s32 $0x1297, v50  }
0xbd: {  	v49 =	vadd.s32 $0x53C, v21;
	v54 =	vadd.s32 $0x2CC2, v48;
	v21 =	vld.idx.msk [tilespmem:v21+s16+$0x0], $0xffff;
	(erf) = vpow2.f32 v23  }
0xbe: {  	v55 =	vadd.s32 $0x1296, v50;
	v29 =	vld.idx.msk [tilespmem:v29+s16+$0x0], $0xffff  }
0xbf: {  	v26 =	vld.idx.msk [tilespmem:v26+s16+$0x0], $0xffff  }
0xc0: {  	v56 =	vadd.s32 $0x1298, v50;
	v28 =	vld.idx.msk [tilespmem:v51+s16+$0x0], $0xffff  }
0xc1: {  	v30 =	vld.idx.msk [tilespmem:v53+s16+$0x0], $0xffff;
	v23 =	vadd.s32 $0x2CC4, v48  }
0xc2: {  	v57 =	vadd.s32 $0x2CC5, v48;
	v31 =	vld.idx.msk [tilespmem:v54+s16+$0x0], $0xffff  }
0xc3: {  	v58 =	vadd.s32 $0x1299, v50;
	v27 =	vadd.s32 $0x129A, v50;
	v32 =	vld.idx.msk [tilespmem:v55+s16+$0x0], $0xffff  }
0xc4: {  	v59 =	vand.u32 $0x80000000, v22;
	vm0 =	vlt.f32 v22, $0.0e+00;
	vm1 =	vgt.f32 v22, $0.0e+00;
	v25 =	vld.idx.msk [tilespmem:v49+s16+$0x0], $0xffff  }
0xc5: {  	v33 =	vld.idx.msk [tilespmem:v56+s16+$0x0], $0xffff;
	v36 =	vor.u32 v59, v10;
	vm0 =	vmor vm1, vm0;
	v24 =	vadd.s32 $0x2CC6, v48  }
0xc6: {  	v22 =	vsel vm0, v36, v22;
	v23 =	vld.idx.msk [tilespmem:v23+s16+$0x0], $0xffff;
	v60 =	vpop (erf)  }
0xc7: {  	v34 =	vld.idx.msk [tilespmem:v57+s16+$0x0], $0xffff;
	v22 =	vmul.f32 v60, v22  }
0xc8: {  	v35 =	vld.idx.msk [tilespmem:v58+s16+$0x0], $0xffff;
	v31 =	vmul.f32 v31, v32  }
0xc9: {  	v61 =	vld.idx.msk [tilespmem:v27+s16+$0x0], $0xffff;
	v21 =	vadd.f32 $4.162750240e+00, v21;
	v28 =	vmul.f32 v28, v30;
	v22 =	vmul.f32 v22, v25  }
0xca: {  	v24 =	vld.idx.msk [tilespmem:v24+s16+$0x0], $0xffff  }
0xcb: {  	v62 =	vadd.f32 v28, v31;
	v23 =	vmul.f32 v23, v33;
	v21 =	vadd.f32 v22, v21  }
0xcc: {  	v22 =	vld [tilespmem:s29+$0x5800]  }
0xcd: {  	v63 =	vmul.f32 v34, v35;
	v23 =	vadd.f32 v23, v62;
	v21 =	vadd.f32 v21, v29;
	_ =	sdelay $0x1  }
0xce: {  	v24 =	vmul.f32 v24, v61;
	v23 =	vadd.f32 v63, v23;
	v21 =	vadd.f32 v21, v26;
	_ =	sdelay $0x1  }
0xcf: {  	v23 =	vadd.f32 v24, v23;
	v21 =	vadd.f32 v21, v22;
	_ =	sdelay $0x1  }
0xd0: {  	s30 =	simm.s32 $0x10;
	s0 =	simm.s32 $0x80;
	v21 =	vadd.f32 v21, v23  }
.LBB2_2:
0xd1: {  	p0 =	sne.s32 s0, $0x1C0;
	v22 =	vld [tilespmem:s30+$0x0]  }
0xd2: {  	v23 =	vld [tilespmem:s30+$0x200];
	v24 =	vmul.f32 v21, v13;
	v25 =	vmul.f32 v21, v19  }
0xd3: {  	v26 =	vmul.f32 v21, v15;
	v27 =	vmul.f32 v21, v18  }
0xd4: {  	v21 =	vmul.f32 v21, v12;
	v24 =	vadd.f32 v24, v14;
	v25 =	vadd.f32 v25, v20  }
0xd5: {  	v26 =	vadd.f32 v26, v16;
	v27 =	vadd.f32 v27, v17  }
0xd6: {  	v21 =	vadd.f32 v21, v11;
	v28 =	vadd.s32 $0xA78, v22;
	[tilespmem:s29+$0x5C00] =	vst v25  }
0xd7: {  	v29 =	vadd.s32 $0x53C, v22;
	v25 =	vmul.u32 $0x5, v23;
	[tilespmem:s29+$0x5B80] =	vst v24  }
0xd8: {  	v24 =	vmul.u32 $0x5, v22;
	[tilespmem:s29+$0x5B00] =	vst v27  }
0xd9: {  	v27 =	vld [tilespmem:s30+$0x800];
	v30 =	vadd.s32 $0x2CC3, v25;
	[tilespmem:s29+$0x5A80] =	vst v26  }
0xda: {  	v31 =	vadd.s32 $0x1297, v24;
	v26 =	vld [tilespmem:s30+$0x600];
	[tilespmem:s29+$0x5A00] =	vst v21;
	s29 =	smov.u32 s30  }
0xdb: {  	v21 =	vadd.s32 $0x2CC2, v25;
	v28 =	vld.idx.msk [tilespmem:v28+s16+$0x0], $0xffff  }
0xdc: {  	v32 =	vadd.s32 $0x1296, v24;
	v29 =	vld.idx.msk [tilespmem:v29+s16+$0x0], $0xffff  }
0xdd: {  	v33 =	vadd.s32 $0x2CC4, v25;
	v22 =	vld.idx.msk [tilespmem:v22+s16+$0x0], $0xffff  }
0xde: {  	v34 =	vadd.s32 $0x1298, v24;
	v30 =	vld.idx.msk [tilespmem:v30+s16+$0x0], $0xffff  }
0xdf: {  	v27 =	vadd.s32 $0x3B13, v27;
	v31 =	vld.idx.msk [tilespmem:v31+s16+$0x0], $0xffff;
	v26 =	vcvt.s32.f32 v26  }
0xe0: {  	v35 =	vadd.s32 $0x2CC5, v25;
	v21 =	vld.idx.msk [tilespmem:v21+s16+$0x0], $0xffff  }
0xe1: {  	v36 =	vadd.s32 $0x1299, v24;
	v32 =	vld.idx.msk [tilespmem:v32+s16+$0x0], $0xffff;
	v26 =	vsub.f32 v26, v28  }
0xe2: {  	v23 =	vadd.s32 $0xFB4, v23;
	v28 =	vld.idx.msk [tilespmem:v33+s16+$0x0], $0xffff  }
0xe3: {  	v25 =	vadd.s32 $0x2CC6, v25;
	v33 =	vld.idx.msk [tilespmem:v34+s16+$0x0], $0xffff;
	v34 =	vand.u32 $0x7FFFFFFF, v26  }
0xe4: {  	v24 =	vadd.s32 $0x129A, v24;
	v27 =	vld.idx.msk [tilespmem:v27+s16+$0x0], $0xffff;
	v37 =	vand.u32 $0x7FFFFF, v34  }
0xe5: {  	v35 =	vld.idx.msk [tilespmem:v35+s16+$0x0], $0xffff;
	v37 =	vor.u32 $0x3F800000, v37  }
0xe6: {  	v36 =	vld.idx.msk [tilespmem:v36+s16+$0x0], $0xffff;
	v37 =	vadd.f32 $-1.000000000e+00, v37  }
0xe7: {  	v23 =	vld.idx.msk [tilespmem:v23+s16+$0x0], $0xffff  }
0xe8: {  	v25 =	vld.idx.msk [tilespmem:v25+s16+$0x0], $0xffff;
	v38 =	vmul.f32 $-2.482598460e-02, v37  }
0xe9: {  	v24 =	vld.idx.msk [tilespmem:v24+s16+$0x0], $0xffff  }
0xea: {  	v38 =	vadd.f32 $1.179068610e-01, v38;
	_ =	sdelay $0x1  }
0xeb: {  	v38 =	vmul.f32 v38, v37;
	_ =	sdelay $0x1  }
0xec: {  	v38 =	vadd.f32 $-2.723558250e-01, v38;
	_ =	sdelay $0x1  }
0xed: {  	v38 =	vmul.f32 v38, v37;
	_ =	sdelay $0x1  }
0xee: {  	v38 =	vadd.f32 $4.538581970e-01, v38;
	_ =	sdelay $0x1  }
0xef: {  	v38 =	vmul.f32 v38, v37;
	_ =	sdelay $0x1  }
0xf0: {  	v38 =	vadd.f32 $-7.169875500e-01, v38;
	_ =	sdelay $0x1  }
0xf1: {  	v38 =	vmul.f32 v38, v37;
	_ =	sdelay $0x1  }
0xf2: {  	v38 =	vadd.f32 $1.442395570e+00, v38;
	_ =	sdelay $0x1  }
0xf3: {  	v34 =	vshrl.u32 v34, $0x17;
	v37 =	vmul.f32 v38, v37  }
0xf4: {  	v34 =	vadd.s32 $0xFFFFFF81, v34  }
0xf5: {  	v34 =	vcvt.s32.f32 v34;
	v37 =	vadd.f32 $5.060328020e-06, v37;
	_ =	sdelay $0x1  }
0xf6: {  	v34 =	vadd.f32 v34, v37;
	_ =	sdelay $0x1  }
0xf7: {  	v34 =	vmul.f32 $2.772588730e-01, v34;
	_ =	sdelay $0x1  }
0xf8: {  	v34 =	vmul.f32 $1.442695020e+00, v34;
	_ =	sdelay $0x1  }
0xf9: {  	(erf) = vpow2.f32 v34;
	_ =	sdelay $0x6  }
0xfa: {  	vm0 =	vlt.f32 v26, $0.0e+00;
	vm1 =	vgt.f32 v26, $0.0e+00;
	v38 =	vand.u32 $0x80000000, v26  }
0xfb: {  	vm0 =	vmor vm1, vm0;
	v37 =	vor.u32 v38, v10  }
0xfc: {  	v26 =	vsel vm0, v37, v26;
	v34 =	vpop (erf)  }
0xfd: {  	v26 =	vmul.f32 v34, v26  }
0xfe: {  	v21 =	vmul.f32 v21, v32  }
0xff: {  	v22 =	vadd.f32 $4.162750240e+00, v22;
	v30 =	vmul.f32 v30, v31;
	v26 =	vmul.f32 v26, v29;
	_ =	sdelay $0x1  }
0x100: {  	v21 =	vadd.f32 v30, v21;
	v28 =	vmul.f32 v28, v33;
	v22 =	vadd.f32 v26, v22  }
0x101: {  	v26 =	vld [tilespmem:s29+$0x5800]  }
0x102: {  	v21 =	vadd.f32 v28, v21;
	v28 =	vmul.f32 v35, v36;
	v22 =	vadd.f32 v22, v27;
	_ =	sdelay $0x1  }
.Ltmp0:
0x103: {  	v21 =	vadd.f32 v28, v21;
	v24 =	vmul.f32 v25, v24;
	v22 =	vadd.f32 v22, v23;
	(pc) =	sbr.rel @p0 .LBB2_2-.Ltmp0, $3  }
0x104: {  	_ = 	snop  }
0x105: {  	v21 =	vadd.f32 v24, v21;
	v22 =	vadd.f32 v22, v26;
	_ =	sdelay $0x1  }
0x106: {  	s30 =	sshra.s32 s0, $0x2;
	s0 =	sadd.s32 $0x40, s0;
	v21 =	vadd.f32 v22, v21  }
0x107: {  	_ = 	snop  }
0x108: {  	v23 =	vld [tilespmem:s30+$0x0];
	v22 =	vmul.f32 v21, v19  }
0x109: {  	v24 =	vmul.f32 v21, v13  }
0x10a: {  	v25 =	vmul.f32 v21, v18;
	v22 =	vadd.f32 v22, v20  }
0x10b: {  	v27 =	vmul.f32 v21, v15;
	v24 =	vadd.f32 v24, v14  }
0x10c: {  	v26 =	vld [tilespmem:s30+$0x200];
	v25 =	vadd.f32 v25, v17;
	[tilespmem:s29+$0x5C00] =	vst v22  }
0x10d: {  	v21 =	vmul.f32 v21, v12;
	[tilespmem:s29+$0x5B80] =	vst v24;
	v22 =	vadd.f32 v27, v16;
	v24 =	vadd.s32 $0xA78, v23  }
0x10e: {  	[tilespmem:s29+$0x5B00] =	vst v25  }
0x10f: {  	v21 =	vadd.f32 v21, v11;
	v25 =	vld [tilespmem:s30+$0x800];
	[tilespmem:s29+$0x5A80] =	vst v22  }
0x110: {  	v22 =	vld [tilespmem:s30+$0x600]  }
0x111: {  	[tilespmem:s29+$0x5A00] =	vst v21  }
0x112: {  	v21 =	vld.idx.msk [tilespmem:v24+s16+$0x0], $0xffff;
	_ =	sdelay $0x2  }
0x113: {  	v22 =	vcvt.s32.f32 v22;
	_ =	sdelay $0x1  }
0x114: {  	v21 =	vsub.f32 v22, v21;
	_ =	sdelay $0x1  }
0x115: {  	v22 =	vand.u32 $0x7FFFFFFF, v21  }
0x116: {  	v24 =	vand.u32 $0x7FFFFF, v22  }
0x117: {  	v24 =	vor.u32 $0x3F800000, v24  }
0x118: {  	v24 =	vadd.f32 $-1.000000000e+00, v24;
	_ =	sdelay $0x1  }
0x119: {  	v27 =	vmul.f32 $-2.482598460e-02, v24;
	_ =	sdelay $0x1  }
0x11a: {  	v27 =	vadd.f32 $1.179068610e-01, v27;
	_ =	sdelay $0x1  }
0x11b: {  	v27 =	vmul.f32 v27, v24;
	_ =	sdelay $0x1  }
0x11c: {  	v27 =	vadd.f32 $-2.723558250e-01, v27;
	_ =	sdelay $0x1  }
0x11d: {  	v27 =	vmul.f32 v27, v24;
	_ =	sdelay $0x1  }
0x11e: {  	v27 =	vadd.f32 $4.538581970e-01, v27;
	_ =	sdelay $0x1  }
0x11f: {  	v27 =	vmul.f32 v27, v24;
	_ =	sdelay $0x1  }
0x120: {  	v27 =	vadd.f32 $-7.169875500e-01, v27;
	_ =	sdelay $0x1  }
0x121: {  	v27 =	vmul.f32 v27, v24;
	_ =	sdelay $0x1  }
0x122: {  	v27 =	vadd.f32 $1.442395570e+00, v27;
	_ =	sdelay $0x1  }
0x123: {  	v22 =	vshrl.u32 v22, $0x17;
	v24 =	vmul.f32 v27, v24  }
0x124: {  	v22 =	vadd.s32 $0xFFFFFF81, v22  }
0x125: {  	v22 =	vcvt.s32.f32 v22;
	v24 =	vadd.f32 $5.060328020e-06, v24  }
0x126: {  	v28 =	vmul.u32 $0x5, v23  }
0x127: {  	v22 =	vadd.f32 v22, v24  }
0x128: {  	v30 =	vadd.s32 $0x1297, v28  }
0x129: {  	v32 =	vadd.s32 $0x1296, v28;
	v22 =	vmul.f32 $2.772588730e-01, v22  }
0x12a: {  	v33 =	vadd.s32 $0x1298, v28  }
0x12b: {  	v35 =	vadd.s32 $0x1299, v28;
	v22 =	vmul.f32 $1.442695020e+00, v22  }
0x12c: {  	v24 =	vmul.u32 $0x5, v26  }
0x12d: {  	v30 =	vld.idx.msk [tilespmem:v30+s16+$0x0], $0xffff;
	v27 =	vadd.s32 $0x53C, v23;
	(erf) = vpow2.f32 v22  }
0x12e: {  	v32 =	vld.idx.msk [tilespmem:v32+s16+$0x0], $0xffff;
	v31 =	vadd.s32 $0x2CC2, v24  }
0x12f: {  	v33 =	vld.idx.msk [tilespmem:v33+s16+$0x0], $0xffff;
	v29 =	vadd.s32 $0x2CC3, v24  }
0x130: {  	v25 =	vadd.s32 $0x3B13, v25;
	v35 =	vld.idx.msk [tilespmem:v35+s16+$0x0], $0xffff  }
0x131: {  	v22 =	vld.idx.msk [tilespmem:v23+s16+$0x0], $0xffff;
	v23 =	vadd.s32 $0x2CC4, v24  }
0x132: {  	v26 =	vadd.s32 $0xFB4, v26;
	v27 =	vld.idx.msk [tilespmem:v27+s16+$0x0], $0xffff  }
0x133: {  	v36 =	vand.u32 $0x80000000, v21;
	v34 =	vadd.s32 $0x2CC5, v24;
	v31 =	vld.idx.msk [tilespmem:v31+s16+$0x0], $0xffff  }
0x134: {  	vm0 =	vlt.f32 v21, $0.0e+00;
	vm1 =	vgt.f32 v21, $0.0e+00;
	v24 =	vadd.s32 $0x2CC6, v24;
	v29 =	vld.idx.msk [tilespmem:v29+s16+$0x0], $0xffff  }
0x135: {  	v28 =	vadd.s32 $0x129A, v28;
	v25 =	vld.idx.msk [tilespmem:v25+s16+$0x0], $0xffff;
	v36 =	vor.u32 v36, v10;
	vm0 =	vmor vm1, vm0  }
0x136: {  	v21 =	vsel vm0, v36, v21;
	v23 =	vld.idx.msk [tilespmem:v23+s16+$0x0], $0xffff;
	v49 =	vpop (erf)  }
0x137: {  	v26 =	vld.idx.msk [tilespmem:v26+s16+$0x0], $0xffff;
	v21 =	vmul.f32 v49, v21  }
0x138: {  	v34 =	vld.idx.msk [tilespmem:v34+s16+$0x0], $0xffff;
	v31 =	vmul.f32 v31, v32  }
0x139: {  	v24 =	vld.idx.msk [tilespmem:v24+s16+$0x0], $0xffff;
	v22 =	vadd.f32 $4.162750240e+00, v22;
	v29 =	vmul.f32 v29, v30;
	v21 =	vmul.f32 v21, v27  }
0x13a: {  	v27 =	vld.idx.msk [tilespmem:v28+s16+$0x0], $0xffff  }
0x13b: {  	v50 =	vadd.f32 v29, v31;
	v23 =	vmul.f32 v23, v33;
	v21 =	vadd.f32 v21, v22  }
0x13c: {  	v22 =	vld [tilespmem:s30+$0x5800]  }
0x13d: {  	v51 =	vmul.f32 v34, v35;
	v23 =	vadd.f32 v23, v50;
	v21 =	vadd.f32 v21, v25;
	_ =	sdelay $0x1  }
0x13e: {  	v23 =	vadd.f32 v51, v23;
	v24 =	vmul.f32 v24, v27;
	v21 =	vadd.f32 v21, v26;
	_ =	sdelay $0x1  }
0x13f: {  	v23 =	vadd.f32 v24, v23;
	v21 =	vadd.f32 v21, v22;
	_ =	sdelay $0x1  }
0x140: {  	v21 =	vadd.f32 v21, v23;
	_ =	sdelay $0x1  }
0x141: {  	v22 =	vmul.f32 v21, v19  }
0x142: {  	v23 =	vmul.f32 v21, v13  }
0x143: {  	v24 =	vmul.f32 v21, v18;
	v22 =	vadd.f32 v22, v20  }
0x144: {  	v25 =	vmul.f32 v21, v15;
	v21 =	vmul.f32 v21, v12;
	v23 =	vadd.f32 v23, v14  }
0x145: {  	v24 =	vadd.f32 v24, v17;
	[tilespmem:s30+$0x5C00] =	vst v22  }
0x146: {  	v21 =	vadd.f32 v21, v11;
	[tilespmem:s30+$0x5B80] =	vst v23  }
0x147: {  	v22 =	vadd.f32 v25, v16;
	[tilespmem:s30+$0x5B00] =	vst v24  }
0x148: {  	[tilespmem:s30+$0x5A00] =	vst v21  }
0x149: {  	s29 =	simm.s32 $0x400;
	[tilespmem:s30+$0x5A80] =	vst v22  }
0x14a: {  	[hbm4b:s11+s29] =	stream.strided.scatter [tilespmem:s20], [sflag:$0x4], $0x0, s18, s29, $0x200038;
	[tilespmem:$0x6A00] =	vst v63  }
0x14b: {  	s0 =	simm.s32 $0x0;
	s30 =	simm.s32 $0x0  }
0x14c: {  	[hbm4b:s11+s0] =	stream.linear.scatter [tilespmem:s20], [sflag:$0x4], $0x280, $0x200038;
	[tilespmem:$0x6A00] =	vst v63  }
0x14d: {  	v21 =	vld [tilespmem:s30+$0x80];
	_ =	sdelay $0x4  }
0x14e: {  	v22 =	vadd.s32 $0xA78, v21;
	_ =	sdelay $0x2  }
0x14f: {  	v23 =	vld [tilespmem:s30+$0x680];
	_ =	sdelay $0x1  }
0x150: {  	v22 =	vld.idx.msk [tilespmem:v22+s16+$0x0], $0xffff;
	_ =	sdelay $0x2  }
0x151: {  	v23 =	vcvt.s32.f32 v23;
	_ =	sdelay $0x1  }
0x152: {  	v22 =	vsub.f32 v23, v22;
	_ =	sdelay $0x1  }
0x153: {  	v23 =	vand.u32 $0x7FFFFFFF, v22  }
0x154: {  	v24 =	vand.u32 $0x7FFFFF, v23  }
0x155: {  	v24 =	vor.u32 $0x3F800000, v24  }
0x156: {  	v24 =	vadd.f32 $-1.000000000e+00, v24;
	_ =	sdelay $0x1  }
0x157: {  	v25 =	vmul.f32 $-2.482598460e-02, v24;
	_ =	sdelay $0x1  }
0x158: {  	v25 =	vadd.f32 $1.179068610e-01, v25;
	_ =	sdelay $0x1  }
0x159: {  	v25 =	vmul.f32 v25, v24;
	_ =	sdelay $0x1  }
0x15a: {  	v25 =	vadd.f32 $-2.723558250e-01, v25;
	_ =	sdelay $0x1  }
0x15b: {  	v25 =	vmul.f32 v25, v24;
	_ =	sdelay $0x1  }
0x15c: {  	v25 =	vadd.f32 $4.538581970e-01, v25;
	_ =	sdelay $0x1  }
0x15d: {  	v25 =	vmul.f32 v25, v24;
	_ =	sdelay $0x1  }
0x15e: {  	v25 =	vadd.f32 $-7.169875500e-01, v25;
	_ =	sdelay $0x1  }
0x15f: {  	v25 =	vmul.f32 v25, v24;
	_ =	sdelay $0x1  }
0x160: {  	v25 =	vadd.f32 $1.442395570e+00, v25;
	_ =	sdelay $0x1  }
0x161: {  	v27 =	vld [tilespmem:s30+$0x280];
	v23 =	vshrl.u32 v23, $0x17;
	v24 =	vmul.f32 v25, v24  }
0x162: {  	v23 =	vadd.s32 $0xFFFFFF81, v23  }
0x163: {  	v23 =	vcvt.s32.f32 v23;
	v24 =	vadd.f32 $5.060328020e-06, v24;
	_ =	sdelay $0x1  }
0x164: {  	v52 =	vadd.s32 $0x53C, v21;
	v23 =	vadd.f32 v23, v24  }
0x165: {  	v53 =	vmul.u32 $0x5, v27;
	v27 =	vadd.s32 $0xFB4, v27  }
0x166: {  	v23 =	vmul.f32 $2.772588730e-01, v23  }
0x167: {  	v56 =	vadd.s32 $0x2CC2, v53  }
0x168: {  	v57 =	vadd.s32 $0x2CC3, v53;
	v23 =	vmul.f32 $1.442695020e+00, v23  }
0x169: {  	v58 =	vadd.s32 $0x2CC5, v53;
	v28 =	vld.idx.msk [tilespmem:v52+s16+$0x0], $0xffff;
	v25 =	vmul.u32 $0x5, v21  }
0x16a: {  	v27 =	vld.idx.msk [tilespmem:v27+s16+$0x0], $0xffff;
	(erf) = vpow2.f32 v23  }
0x16b: {  	v55 =	vadd.s32 $0x1296, v25;
	v23 =	vld [tilespmem:s30+$0x880]  }
0x16c: {  	v32 =	vld.idx.msk [tilespmem:v56+s16+$0x0], $0xffff;
	v54 =	vadd.s32 $0x1297, v25  }
0x16d: {  	v59 =	vadd.s32 $0x2CC4, v53;
	v33 =	vld.idx.msk [tilespmem:v57+s16+$0x0], $0xffff  }
0x16e: {  	v34 =	vld.idx.msk [tilespmem:v58+s16+$0x0], $0xffff;
	v24 =	vadd.s32 $0x1298, v25  }
0x16f: {  	v21 =	vld.idx.msk [tilespmem:v21+s16+$0x0], $0xffff;
	v26 =	vadd.s32 $0x129A, v25;
	v25 =	vadd.s32 $0x1299, v25  }
0x170: {  	v29 =	vadd.s32 $0x2CC6, v53;
	v31 =	vld.idx.msk [tilespmem:v55+s16+$0x0], $0xffff;
	v23 =	vadd.s32 $0x3B13, v23  }
0x171: {  	v60 =	vand.u32 $0x80000000, v22;
	vm14 =	vlt.f32 v22, $0.0e+00;
	vm15 =	vgt.f32 v22, $0.0e+00;
	v30 =	vld.idx.msk [tilespmem:v54+s16+$0x0], $0xffff  }
0x172: {  	v35 =	vld.idx.msk [tilespmem:v59+s16+$0x0], $0xffff;
	v36 =	vor.u32 v60, v10;
	vm0 =	vmor vm15, vm14  }
0x173: {  	v22 =	vsel vm0, v36, v22;
	v24 =	vld.idx.msk [tilespmem:v24+s16+$0x0], $0xffff;
	v61 =	vpop (erf)  }
0x174: {  	v25 =	vld.idx.msk [tilespmem:v25+s16+$0x0], $0xffff;
	v22 =	vmul.f32 v61, v22  }
0x175: {  	v31 =	vmul.f32 v32, v31;
	v23 =	vld.idx.msk [tilespmem:v23+s16+$0x0], $0xffff  }
0x176: {  	v62 =	vld.idx.msk [tilespmem:v29+s16+$0x0], $0xffff;
	v21 =	vadd.f32 $4.162750240e+00, v21;
	v30 =	vmul.f32 v33, v30;
	v22 =	vmul.f32 v22, v28  }
0x177: {  	v26 =	vld.idx.msk [tilespmem:v26+s16+$0x0], $0xffff  }
0x178: {  	v24 =	vmul.f32 v35, v24;
	v63 =	vadd.f32 v30, v31;
	v21 =	vadd.f32 v22, v21  }
0x179: {  	v22 =	vld [tilespmem:s30+$0x5880]  }
0x17a: {  	v25 =	vmul.f32 v34, v25;
	v24 =	vadd.f32 v24, v63;
	v21 =	vadd.f32 v21, v23;
	_ =	sdelay $0x1  }
0x17b: {  	v24 =	vadd.f32 v25, v24;
	v23 =	vmul.f32 v62, v26;
	v21 =	vadd.f32 v21, v27;
	_ =	sdelay $0x1  }
0x17c: {  	v23 =	vadd.f32 v23, v24;
	v21 =	vadd.f32 v21, v22;
	_ =	sdelay $0x1  }
0x17d: {  	v22 =	vadd.f32 v21, v23;
	_ =	sdelay $0x1  }
0x17e: {  	v21 =	vmul.f32 v22, v12;
	v25 =	vmul.f32 v22, v19  }
0x17f: {  	s31 =	sand.u32 $0x3FFFFC00, s29;
	s0 =	simm.s32 $0x40;
	v24 =	vmul.f32 v22, v15;
	v23 =	vmul.f32 v22, v18  }
.LBB2_4:
0x180: {  	p0 =	sne.s32 s0, $0x1C0  }
0x181: {  	v22 =	vmul.f32 v22, v13;
	v25 =	vadd.f32 v25, v20;
	s29 =	sadd.s32 $0x80, s29;
	s4 =	smov.u32 s0;
	s0 =	sadd.s32 $0x40, s0  }
0x182: {  	s6 =	sadd.s32 s30, s31;
	s31 =	sand.u32 $0x3FFFFC00, s29;
	v24 =	vadd.f32 v24, v16  }
0x183: {  	v23 =	vadd.f32 v23, v17;
	v22 =	vadd.f32 v22, v14;
	[tilespmem:s6+$0x5C00] =	vst v25  }
0x184: {  	[tilespmem:s6+$0x5A80] =	vst v24  }
0x185: {  	v21 =	vadd.f32 v21, v11;
	s30 =	sshra.s32 s4, $0x2;
	[tilespmem:s6+$0x5B00] =	vst v23  }
0x186: {  	[tilespmem:s6+$0x5B80] =	vst v22  }
0x187: {  	[tilespmem:s6+$0x5A00] =	vst v21  }
0x188: {  	v21 =	vld [tilespmem:s30+$0x80];
	_ =	sdelay $0x4  }
0x189: {  	v22 =	vmul.u32 $0x5, v21;
	v23 =	vadd.s32 $0xA78, v21;
	_ =	sdelay $0x1  }
0x18a: {  	v24 =	vld [tilespmem:s30+$0x680];
	v25 =	vadd.s32 $0x1298, v22;
	v26 =	vadd.s32 $0x1299, v22;
	v27 =	vadd.s32 $0x129A, v22;
	_ =	sdelay $0x2  }
0x18b: {  	v23 =	vld.idx.msk [tilespmem:v23+s16+$0x0], $0xffff;
	_ =	sdelay $0x1  }
0x18c: {  	v24 =	vcvt.s32.f32 v24;
	_ =	sdelay $0x3  }
0x18d: {  	v23 =	vsub.f32 v24, v23;
	_ =	sdelay $0x1  }
0x18e: {  	v24 =	vand.u32 $0x7FFFFFFF, v23;
	v28 =	vand.u32 $0x80000000, v23;
	vm0 =	vlt.f32 v23, $0.0e+00  }
0x18f: {  	vm1 =	vgt.f32 v23, $0.0e+00;
	v29 =	vshrl.u32 v24, $0x17;
	v24 =	vand.u32 $0x7FFFFF, v24  }
0x190: {  	v28 =	vor.u32 v28, v10;
	vm0 =	vmor vm1, vm0;
	v24 =	vor.u32 $0x3F800000, v24  }
0x191: {  	v23 =	vsel vm0, v28, v23;
	v24 =	vadd.f32 $-1.000000000e+00, v24;
	_ =	sdelay $0x1  }
0x192: {  	v28 =	vmul.f32 $-2.482598460e-02, v24;
	_ =	sdelay $0x1  }
0x193: {  	v28 =	vadd.f32 $1.179068610e-01, v28;
	_ =	sdelay $0x1  }
0x194: {  	v28 =	vmul.f32 v28, v24;
	_ =	sdelay $0x1  }
0x195: {  	v28 =	vadd.f32 $-2.723558250e-01, v28;
	_ =	sdelay $0x1  }
0x196: {  	v28 =	vmul.f32 v28, v24;
	_ =	sdelay $0x1  }
0x197: {  	v28 =	vadd.f32 $4.538581970e-01, v28;
	_ =	sdelay $0x1  }
0x198: {  	v28 =	vmul.f32 v28, v24;
	_ =	sdelay $0x1  }
0x199: {  	v28 =	vadd.f32 $-7.169875500e-01, v28;
	_ =	sdelay $0x1  }
0x19a: {  	v28 =	vmul.f32 v28, v24;
	_ =	sdelay $0x1  }
0x19b: {  	v28 =	vadd.f32 $1.442395570e+00, v28  }
0x19c: {  	v29 =	vadd.s32 $0xFFFFFF81, v29  }
0x19d: {  	v29 =	vcvt.s32.f32 v29;
	v24 =	vmul.f32 v28, v24;
	_ =	sdelay $0x1  }
0x19e: {  	v24 =	vadd.f32 $5.060328020e-06, v24;
	v28 =	vld [tilespmem:s30+$0x280];
	_ =	sdelay $0x1  }
0x19f: {  	v24 =	vadd.f32 v29, v24;
	_ =	sdelay $0x1  }
0x1a0: {  	v29 =	vadd.s32 $0x53C, v21;
	v24 =	vmul.f32 $2.772588730e-01, v24  }
0x1a1: {  	v31 =	vadd.s32 $0x1297, v22;
	v30 =	vmul.u32 $0x5, v28;
	v28 =	vadd.s32 $0xFB4, v28;
	v27 =	vld.idx.msk [tilespmem:v27+s16+$0x0], $0xffff  }
0x1a2: {  	v22 =	vadd.s32 $0x1296, v22;
	v24 =	vmul.f32 $1.442695020e+00, v24;
	v25 =	vld.idx.msk [tilespmem:v25+s16+$0x0], $0xffff  }
0x1a3: {  	v32 =	vld [tilespmem:s30+$0x880];
	v33 =	vadd.s32 $0x2CC2, v30;
	v34 =	vadd.s32 $0x2CC3, v30  }
0x1a4: {  	v35 =	vadd.s32 $0x2CC5, v30;
	v36 =	vadd.s32 $0x2CC6, v30;
	v21 =	vld.idx.msk [tilespmem:v21+s16+$0x0], $0xffff;
	(erf) = vpow2.f32 v24  }
0x1a5: {  	v24 =	vld.idx.msk [tilespmem:v29+s16+$0x0], $0xffff  }
0x1a6: {  	v30 =	vadd.s32 $0x2CC4, v30;
	v29 =	vld.idx.msk [tilespmem:v31+s16+$0x0], $0xffff  }
0x1a7: {  	v22 =	vld.idx.msk [tilespmem:v22+s16+$0x0], $0xffff  }
0x1a8: {  	v31 =	vld.idx.msk [tilespmem:v33+s16+$0x0], $0xffff;
	v32 =	vadd.s32 $0x3B13, v32  }
0x1a9: {  	v33 =	vld.idx.msk [tilespmem:v35+s16+$0x0], $0xffff  }
0x1aa: {  	v34 =	vld.idx.msk [tilespmem:v34+s16+$0x0], $0xffff  }
0x1ab: {  	v30 =	vld.idx.msk [tilespmem:v30+s16+$0x0], $0xffff  }
0x1ac: {  	v26 =	vld.idx.msk [tilespmem:v26+s16+$0x0], $0xffff  }
0x1ad: {  	v32 =	vld.idx.msk [tilespmem:v32+s16+$0x0], $0xffff;
	v35 =	vpop (erf)  }
0x1ae: {  	v22 =	vmul.f32 v31, v22;
	v28 =	vld.idx.msk [tilespmem:v28+s16+$0x0], $0xffff;
	v23 =	vmul.f32 v35, v23  }
0x1af: {  	v21 =	vadd.f32 $4.162750240e+00, v21;
	v31 =	vld.idx.msk [tilespmem:v36+s16+$0x0], $0xffff  }
0x1b0: {  	v29 =	vmul.f32 v34, v29;
	v23 =	vmul.f32 v23, v24  }
0x1b1: {  	v24 =	vmul.f32 v30, v25  }
0x1b2: {  	v22 =	vadd.f32 v29, v22;
	v21 =	vadd.f32 v23, v21  }
0x1b3: {  	v23 =	vmul.f32 v33, v26;
	v25 =	vld [tilespmem:s30+$0x5880]  }
0x1b4: {  	v22 =	vadd.f32 v24, v22;
	v21 =	vadd.f32 v21, v32  }
0x1b5: {  	v24 =	vmul.f32 v31, v27  }
0x1b6: {  	v22 =	vadd.f32 v23, v22;
	v21 =	vadd.f32 v21, v28;
	_ =	sdelay $0x1  }
0x1b7: {  	v22 =	vadd.f32 v24, v22;
	v21 =	vadd.f32 v21, v25  }
.Ltmp1:
0x1b8: {  	(pc) =	sbr.rel @p0 .LBB2_4-.Ltmp1, $3  }
0x1b9: {  	v22 =	vadd.f32 v21, v22;
	_ =	sdelay $0x1  }
0x1ba: {  	v21 =	vmul.f32 v22, v12;
	v25 =	vmul.f32 v22, v19  }
0x1bb: {  	v24 =	vmul.f32 v22, v15;
	v23 =	vmul.f32 v22, v18  }
0x1bc: {  	v25 =	vadd.f32 v25, v20  }
0x1bd: {  	s0 =	sadd.s32 s30, s31;
	v21 =	vadd.f32 v21, v11  }
0x1be: {  	v22 =	vmul.f32 v22, v13;
	v24 =	vadd.f32 v24, v16;
	[tilespmem:s0+$0x5C00] =	vst v25  }
0x1bf: {  	v23 =	vadd.f32 v23, v17;
	[tilespmem:s0+$0x5A00] =	vst v21  }
0x1c0: {  	v22 =	vadd.f32 v22, v14;
	[tilespmem:s0+$0x5A80] =	vst v24  }
0x1c1: {  	[tilespmem:s0+$0x5B00] =	vst v23  }
0x1c2: {  	s6 =	simm.s32 $0x400;
	[tilespmem:s0+$0x5B80] =	vst v22  }
0x1c3: {  	[hbm4b:s12+s6] =	stream.strided.scatter [tilespmem:s21], [sflag:$0x4], $0x0, s18, s6, $0x200038;
	[tilespmem:$0x6A00] =	vst v63  }
0x1c4: {  	s29 =	simm.s32 $0x100  }
0x1c5: {  	[hbm4b:s12+s3] =	stream.linear.scatter [tilespmem:s21], [sflag:$0x4], $0x280, $0x200038;
	[tilespmem:$0x6A00] =	vst v63  }
0x1c6: {  	v21 =	vld [tilespmem:s29+$0x0];
	_ =	sdelay $0x4  }
0x1c7: {  	v22 =	vadd.s32 $0xA78, v21;
	_ =	sdelay $0x2  }
0x1c8: {  	v23 =	vld [tilespmem:s29+$0x600];
	_ =	sdelay $0x1  }
0x1c9: {  	v22 =	vld.idx.msk [tilespmem:v22+s16+$0x0], $0xffff;
	_ =	sdelay $0x2  }
0x1ca: {  	v23 =	vcvt.s32.f32 v23;
	_ =	sdelay $0x1  }
0x1cb: {  	v22 =	vsub.f32 v23, v22;
	_ =	sdelay $0x1  }
0x1cc: {  	v23 =	vand.u32 $0x7FFFFFFF, v22  }
0x1cd: {  	v24 =	vand.u32 $0x7FFFFF, v23  }
0x1ce: {  	v24 =	vor.u32 $0x3F800000, v24  }
0x1cf: {  	v24 =	vadd.f32 $-1.000000000e+00, v24;
	_ =	sdelay $0x1  }
0x1d0: {  	v25 =	vmul.f32 $-2.482598460e-02, v24;
	_ =	sdelay $0x1  }
0x1d1: {  	v25 =	vadd.f32 $1.179068610e-01, v25;
	_ =	sdelay $0x1  }
0x1d2: {  	v25 =	vmul.f32 v25, v24;
	_ =	sdelay $0x1  }
0x1d3: {  	v25 =	vadd.f32 $-2.723558250e-01, v25;
	_ =	sdelay $0x1  }
0x1d4: {  	v25 =	vmul.f32 v25, v24;
	_ =	sdelay $0x1  }
0x1d5: {  	v25 =	vadd.f32 $4.538581970e-01, v25;
	_ =	sdelay $0x1  }
0x1d6: {  	v25 =	vmul.f32 v25, v24;
	_ =	sdelay $0x1  }
0x1d7: {  	v25 =	vadd.f32 $-7.169875500e-01, v25;
	_ =	sdelay $0x1  }
0x1d8: {  	v25 =	vmul.f32 v25, v24;
	_ =	sdelay $0x1  }
0x1d9: {  	v25 =	vadd.f32 $1.442395570e+00, v25;
	_ =	sdelay $0x1  }
0x1da: {  	v27 =	vld [tilespmem:s29+$0x200];
	v23 =	vshrl.u32 v23, $0x17;
	v24 =	vmul.f32 v25, v24  }
0x1db: {  	v23 =	vadd.s32 $0xFFFFFF81, v23  }
0x1dc: {  	v23 =	vcvt.s32.f32 v23;
	v24 =	vadd.f32 $5.060328020e-06, v24;
	_ =	sdelay $0x1  }
0x1dd: {  	v28 =	vadd.s32 $0x53C, v21;
	v23 =	vadd.f32 v23, v24  }
0x1de: {  	v29 =	vmul.u32 $0x5, v27;
	v27 =	vadd.s32 $0xFB4, v27  }
0x1df: {  	v23 =	vmul.f32 $2.772588730e-01, v23  }
0x1e0: {  	v32 =	vadd.s32 $0x2CC2, v29  }
0x1e1: {  	v33 =	vadd.s32 $0x2CC3, v29;
	v23 =	vmul.f32 $1.442695020e+00, v23  }
0x1e2: {  	v34 =	vadd.s32 $0x2CC5, v29;
	v28 =	vld.idx.msk [tilespmem:v28+s16+$0x0], $0xffff;
	v25 =	vmul.u32 $0x5, v21  }
0x1e3: {  	v27 =	vld.idx.msk [tilespmem:v27+s16+$0x0], $0xffff;
	(erf) = vpow2.f32 v23  }
0x1e4: {  	v31 =	vadd.s32 $0x1296, v25;
	v23 =	vld [tilespmem:s29+$0x800]  }
0x1e5: {  	v32 =	vld.idx.msk [tilespmem:v32+s16+$0x0], $0xffff;
	v30 =	vadd.s32 $0x1297, v25  }
0x1e6: {  	v35 =	vadd.s32 $0x2CC4, v29;
	v33 =	vld.idx.msk [tilespmem:v33+s16+$0x0], $0xffff  }
0x1e7: {  	v34 =	vld.idx.msk [tilespmem:v34+s16+$0x0], $0xffff;
	v24 =	vadd.s32 $0x1298, v25  }
0x1e8: {  	v21 =	vld.idx.msk [tilespmem:v21+s16+$0x0], $0xffff;
	v26 =	vadd.s32 $0x129A, v25;
	v25 =	vadd.s32 $0x1299, v25  }
0x1e9: {  	v29 =	vadd.s32 $0x2CC6, v29;
	v31 =	vld.idx.msk [tilespmem:v31+s16+$0x0], $0xffff;
	v23 =	vadd.s32 $0x3B13, v23  }
0x1ea: {  	v36 =	vand.u32 $0x80000000, v22;
	vm0 =	vlt.f32 v22, $0.0e+00;
	vm1 =	vgt.f32 v22, $0.0e+00;
	v30 =	vld.idx.msk [tilespmem:v30+s16+$0x0], $0xffff  }
0x1eb: {  	v35 =	vld.idx.msk [tilespmem:v35+s16+$0x0], $0xffff;
	vm0 =	vmor vm1, vm0;
	v36 =	vor.u32 v36, v10  }
0x1ec: {  	v22 =	vsel vm0, v36, v22;
	v24 =	vld.idx.msk [tilespmem:v24+s16+$0x0], $0xffff;
	v61 =	vpop (erf)  }
0x1ed: {  	v25 =	vld.idx.msk [tilespmem:v25+s16+$0x0], $0xffff;
	v22 =	vmul.f32 v61, v22  }
0x1ee: {  	v31 =	vmul.f32 v32, v31;
	v23 =	vld.idx.msk [tilespmem:v23+s16+$0x0], $0xffff  }
0x1ef: {  	v62 =	vld.idx.msk [tilespmem:v29+s16+$0x0], $0xffff;
	v21 =	vadd.f32 $4.162750240e+00, v21;
	v30 =	vmul.f32 v33, v30;
	v22 =	vmul.f32 v22, v28  }
0x1f0: {  	v26 =	vld.idx.msk [tilespmem:v26+s16+$0x0], $0xffff  }
0x1f1: {  	v24 =	vmul.f32 v35, v24;
	v63 =	vadd.f32 v30, v31;
	v21 =	vadd.f32 v22, v21  }
0x1f2: {  	v22 =	vld [tilespmem:s29+$0x5800]  }
0x1f3: {  	v25 =	vmul.f32 v34, v25;
	v24 =	vadd.f32 v24, v63;
	v21 =	vadd.f32 v21, v23;
	_ =	sdelay $0x1  }
0x1f4: {  	v24 =	vadd.f32 v25, v24;
	v23 =	vmul.f32 v62, v26;
	v21 =	vadd.f32 v21, v27;
	_ =	sdelay $0x1  }
0x1f5: {  	v23 =	vadd.f32 v23, v24;
	v21 =	vadd.f32 v21, v22;
	_ =	sdelay $0x1  }
0x1f6: {  	v22 =	vadd.f32 v21, v23;
	_ =	sdelay $0x1  }
0x1f7: {  	s30 =	simm.s32 $0x800;
	v21 =	vmul.f32 v22, v12;
	v25 =	vmul.f32 v22, v19  }
0x1f8: {  	s31 =	sand.u32 $0x3FFFFC00, s30;
	s0 =	simm.s32 $0x440;
	v24 =	vmul.f32 v22, v15;
	v23 =	vmul.f32 v22, v18  }
.LBB2_6:
0x1f9: {  	p0 =	sne.s32 s0, $0x5C0  }
0x1fa: {  	v22 =	vmul.f32 v22, v13;
	v25 =	vadd.f32 v25, v20;
	s30 =	sadd.s32 $0x80, s30;
	s4 =	smov.u32 s0;
	s0 =	sadd.s32 $0x40, s0  }
0x1fb: {  	s6 =	sadd.s32 s29, s31;
	s31 =	sand.u32 $0x3FFFFC00, s30;
	v24 =	vadd.f32 v24, v16  }
0x1fc: {  	v23 =	vadd.f32 v23, v17;
	v22 =	vadd.f32 v22, v14;
	[tilespmem:s6+$0x5B00] =	vst v25  }
0x1fd: {  	[tilespmem:s6+$0x5980] =	vst v24  }
0x1fe: {  	v21 =	vadd.f32 v21, v11;
	s29 =	sshra.s32 s4, $0x2;
	[tilespmem:s6+$0x5A00] =	vst v23  }
0x1ff: {  	[tilespmem:s6+$0x5A80] =	vst v22  }
0x200: {  	[tilespmem:s6+$0x5900] =	vst v21  }
0x201: {  	v21 =	vld [tilespmem:s29+$0x0];
	_ =	sdelay $0x4  }
0x202: {  	v22 =	vmul.u32 $0x5, v21;
	v23 =	vadd.s32 $0xA78, v21;
	_ =	sdelay $0x1  }
0x203: {  	v24 =	vld [tilespmem:s29+$0x600];
	v25 =	vadd.s32 $0x1298, v22;
	v26 =	vadd.s32 $0x1299, v22;
	v27 =	vadd.s32 $0x129A, v22;
	_ =	sdelay $0x2  }
0x204: {  	v23 =	vld.idx.msk [tilespmem:v23+s16+$0x0], $0xffff;
	_ =	sdelay $0x1  }
0x205: {  	v24 =	vcvt.s32.f32 v24;
	_ =	sdelay $0x3  }
0x206: {  	v23 =	vsub.f32 v24, v23;
	_ =	sdelay $0x1  }
0x207: {  	v24 =	vand.u32 $0x7FFFFFFF, v23;
	v28 =	vand.u32 $0x80000000, v23;
	vm0 =	vlt.f32 v23, $0.0e+00  }
0x208: {  	vm1 =	vgt.f32 v23, $0.0e+00;
	v29 =	vshrl.u32 v24, $0x17;
	v24 =	vand.u32 $0x7FFFFF, v24  }
0x209: {  	v28 =	vor.u32 v28, v10;
	vm0 =	vmor vm1, vm0;
	v24 =	vor.u32 $0x3F800000, v24  }
0x20a: {  	v23 =	vsel vm0, v28, v23;
	v24 =	vadd.f32 $-1.000000000e+00, v24;
	_ =	sdelay $0x1  }
0x20b: {  	v28 =	vmul.f32 $-2.482598460e-02, v24;
	_ =	sdelay $0x1  }
0x20c: {  	v28 =	vadd.f32 $1.179068610e-01, v28;
	_ =	sdelay $0x1  }
0x20d: {  	v28 =	vmul.f32 v28, v24;
	_ =	sdelay $0x1  }
0x20e: {  	v28 =	vadd.f32 $-2.723558250e-01, v28;
	_ =	sdelay $0x1  }
0x20f: {  	v28 =	vmul.f32 v28, v24;
	_ =	sdelay $0x1  }
0x210: {  	v28 =	vadd.f32 $4.538581970e-01, v28;
	_ =	sdelay $0x1  }
0x211: {  	v28 =	vmul.f32 v28, v24;
	_ =	sdelay $0x1  }
0x212: {  	v28 =	vadd.f32 $-7.169875500e-01, v28;
	_ =	sdelay $0x1  }
0x213: {  	v28 =	vmul.f32 v28, v24;
	_ =	sdelay $0x1  }
0x214: {  	v28 =	vadd.f32 $1.442395570e+00, v28  }
0x215: {  	v29 =	vadd.s32 $0xFFFFFF81, v29  }
0x216: {  	v29 =	vcvt.s32.f32 v29;
	v24 =	vmul.f32 v28, v24;
	_ =	sdelay $0x1  }
0x217: {  	v24 =	vadd.f32 $5.060328020e-06, v24;
	v28 =	vld [tilespmem:s29+$0x200];
	_ =	sdelay $0x1  }
0x218: {  	v24 =	vadd.f32 v29, v24;
	_ =	sdelay $0x1  }
0x219: {  	v29 =	vadd.s32 $0x53C, v21;
	v24 =	vmul.f32 $2.772588730e-01, v24  }
0x21a: {  	v31 =	vadd.s32 $0x1297, v22;
	v30 =	vmul.u32 $0x5, v28;
	v28 =	vadd.s32 $0xFB4, v28;
	v27 =	vld.idx.msk [tilespmem:v27+s16+$0x0], $0xffff  }
0x21b: {  	v22 =	vadd.s32 $0x1296, v22;
	v24 =	vmul.f32 $1.442695020e+00, v24;
	v25 =	vld.idx.msk [tilespmem:v25+s16+$0x0], $0xffff  }
0x21c: {  	v32 =	vld [tilespmem:s29+$0x800];
	v33 =	vadd.s32 $0x2CC2, v30;
	v34 =	vadd.s32 $0x2CC3, v30  }
0x21d: {  	v35 =	vadd.s32 $0x2CC5, v30;
	v36 =	vadd.s32 $0x2CC6, v30;
	v21 =	vld.idx.msk [tilespmem:v21+s16+$0x0], $0xffff;
	(erf) = vpow2.f32 v24  }
0x21e: {  	v24 =	vld.idx.msk [tilespmem:v29+s16+$0x0], $0xffff  }
0x21f: {  	v30 =	vadd.s32 $0x2CC4, v30;
	v29 =	vld.idx.msk [tilespmem:v31+s16+$0x0], $0xffff  }
0x220: {  	v22 =	vld.idx.msk [tilespmem:v22+s16+$0x0], $0xffff  }
0x221: {  	v31 =	vld.idx.msk [tilespmem:v33+s16+$0x0], $0xffff;
	v32 =	vadd.s32 $0x3B13, v32  }
0x222: {  	v33 =	vld.idx.msk [tilespmem:v35+s16+$0x0], $0xffff  }
0x223: {  	v34 =	vld.idx.msk [tilespmem:v34+s16+$0x0], $0xffff  }
0x224: {  	v30 =	vld.idx.msk [tilespmem:v30+s16+$0x0], $0xffff  }
0x225: {  	v26 =	vld.idx.msk [tilespmem:v26+s16+$0x0], $0xffff  }
0x226: {  	v32 =	vld.idx.msk [tilespmem:v32+s16+$0x0], $0xffff;
	v35 =	vpop (erf)  }
0x227: {  	v22 =	vmul.f32 v31, v22;
	v28 =	vld.idx.msk [tilespmem:v28+s16+$0x0], $0xffff;
	v23 =	vmul.f32 v35, v23  }
0x228: {  	v21 =	vadd.f32 $4.162750240e+00, v21;
	v31 =	vld.idx.msk [tilespmem:v36+s16+$0x0], $0xffff  }
0x229: {  	v29 =	vmul.f32 v34, v29;
	v23 =	vmul.f32 v23, v24  }
0x22a: {  	v24 =	vmul.f32 v30, v25  }
0x22b: {  	v22 =	vadd.f32 v29, v22;
	v21 =	vadd.f32 v23, v21  }
0x22c: {  	v23 =	vmul.f32 v33, v26;
	v25 =	vld [tilespmem:s29+$0x5800]  }
0x22d: {  	v22 =	vadd.f32 v24, v22;
	v21 =	vadd.f32 v21, v32  }
0x22e: {  	v24 =	vmul.f32 v31, v27  }
0x22f: {  	v22 =	vadd.f32 v23, v22;
	v21 =	vadd.f32 v21, v28;
	_ =	sdelay $0x1  }
0x230: {  	v22 =	vadd.f32 v24, v22;
	v21 =	vadd.f32 v21, v25  }
.Ltmp2:
0x231: {  	(pc) =	sbr.rel @p0 .LBB2_6-.Ltmp2, $3  }
0x232: {  	v22 =	vadd.f32 v21, v22;
	_ =	sdelay $0x1  }
0x233: {  	v21 =	vmul.f32 v22, v12;
	v25 =	vmul.f32 v22, v19  }
0x234: {  	v24 =	vmul.f32 v22, v15;
	v23 =	vmul.f32 v22, v18  }
0x235: {  	v25 =	vadd.f32 v25, v20  }
0x236: {  	s0 =	sadd.s32 s29, s31;
	v21 =	vadd.f32 v21, v11  }
0x237: {  	v22 =	vmul.f32 v22, v13;
	v24 =	vadd.f32 v24, v16;
	[tilespmem:s0+$0x5B00] =	vst v25  }
0x238: {  	v23 =	vadd.f32 v23, v17;
	[tilespmem:s0+$0x5900] =	vst v21  }
0x239: {  	v22 =	vadd.f32 v22, v14;
	[tilespmem:s0+$0x5980] =	vst v24  }
0x23a: {  	[tilespmem:s0+$0x5A00] =	vst v23  }
0x23b: {  	[tilespmem:s0+$0x5A80] =	vst v22  }
0x23c: {  	[hbm4b:s13+s19] =	stream.strided.scatter [tilespmem:s24], [sflag:$0x4], $0x0, s18, s19, $0x200038;
	[tilespmem:$0x6A00] =	vst v63  }
0x23d: {  	s6 =	simm.s32 $0x0;
	s29 =	simm.s32 $0x0  }
0x23e: {  	[hbm4b:s13+s6] =	stream.linear.scatter [tilespmem:s24], [sflag:$0x4], $0x280, $0x200038;
	[tilespmem:$0x6A00] =	vst v63  }
0x23f: {  	v21 =	vld [tilespmem:s29+$0x180];
	_ =	sdelay $0x4  }
0x240: {  	v22 =	vadd.s32 $0xA78, v21;
	_ =	sdelay $0x2  }
0x241: {  	v23 =	vld [tilespmem:s29+$0x780];
	_ =	sdelay $0x1  }
0x242: {  	v22 =	vld.idx.msk [tilespmem:v22+s16+$0x0], $0xffff;
	_ =	sdelay $0x2  }
0x243: {  	v23 =	vcvt.s32.f32 v23;
	_ =	sdelay $0x1  }
0x244: {  	v22 =	vsub.f32 v23, v22;
	_ =	sdelay $0x1  }
0x245: {  	v23 =	vand.u32 $0x7FFFFFFF, v22  }
0x246: {  	v24 =	vand.u32 $0x7FFFFF, v23  }
0x247: {  	v24 =	vor.u32 $0x3F800000, v24  }
0x248: {  	v24 =	vadd.f32 $-1.000000000e+00, v24;
	_ =	sdelay $0x1  }
0x249: {  	v25 =	vmul.f32 $-2.482598460e-02, v24;
	_ =	sdelay $0x1  }
0x24a: {  	v25 =	vadd.f32 $1.179068610e-01, v25;
	_ =	sdelay $0x1  }
0x24b: {  	v25 =	vmul.f32 v25, v24;
	_ =	sdelay $0x1  }
0x24c: {  	v25 =	vadd.f32 $-2.723558250e-01, v25;
	_ =	sdelay $0x1  }
0x24d: {  	v25 =	vmul.f32 v25, v24;
	_ =	sdelay $0x1  }
0x24e: {  	v25 =	vadd.f32 $4.538581970e-01, v25;
	_ =	sdelay $0x1  }
0x24f: {  	v25 =	vmul.f32 v25, v24;
	_ =	sdelay $0x1  }
0x250: {  	v25 =	vadd.f32 $-7.169875500e-01, v25;
	_ =	sdelay $0x1  }
0x251: {  	v25 =	vmul.f32 v25, v24;
	_ =	sdelay $0x1  }
0x252: {  	v25 =	vadd.f32 $1.442395570e+00, v25;
	_ =	sdelay $0x1  }
0x253: {  	v27 =	vld [tilespmem:s29+$0x380];
	v23 =	vshrl.u32 v23, $0x17;
	v24 =	vmul.f32 v25, v24  }
0x254: {  	v23 =	vadd.s32 $0xFFFFFF81, v23  }
0x255: {  	v23 =	vcvt.s32.f32 v23;
	v24 =	vadd.f32 $5.060328020e-06, v24;
	_ =	sdelay $0x1  }
0x256: {  	v28 =	vadd.s32 $0x53C, v21;
	v23 =	vadd.f32 v23, v24  }
0x257: {  	v29 =	vmul.u32 $0x5, v27;
	v27 =	vadd.s32 $0xFB4, v27  }
0x258: {  	v23 =	vmul.f32 $2.772588730e-01, v23  }
0x259: {  	v32 =	vadd.s32 $0x2CC2, v29  }
0x25a: {  	v33 =	vadd.s32 $0x2CC3, v29;
	v23 =	vmul.f32 $1.442695020e+00, v23  }
0x25b: {  	v34 =	vadd.s32 $0x2CC5, v29;
	v28 =	vld.idx.msk [tilespmem:v28+s16+$0x0], $0xffff;
	v25 =	vmul.u32 $0x5, v21  }
0x25c: {  	v27 =	vld.idx.msk [tilespmem:v27+s16+$0x0], $0xffff;
	(erf) = vpow2.f32 v23  }
0x25d: {  	v31 =	vadd.s32 $0x1296, v25;
	v23 =	vld [tilespmem:s29+$0x980]  }
0x25e: {  	v32 =	vld.idx.msk [tilespmem:v32+s16+$0x0], $0xffff;
	v30 =	vadd.s32 $0x1297, v25  }
0x25f: {  	v35 =	vadd.s32 $0x2CC4, v29;
	v33 =	vld.idx.msk [tilespmem:v33+s16+$0x0], $0xffff  }
0x260: {  	v34 =	vld.idx.msk [tilespmem:v34+s16+$0x0], $0xffff;
	v24 =	vadd.s32 $0x1298, v25  }
0x261: {  	v21 =	vld.idx.msk [tilespmem:v21+s16+$0x0], $0xffff;
	v26 =	vadd.s32 $0x129A, v25;
	v25 =	vadd.s32 $0x1299, v25  }
0x262: {  	v29 =	vadd.s32 $0x2CC6, v29;
	v31 =	vld.idx.msk [tilespmem:v31+s16+$0x0], $0xffff;
	v23 =	vadd.s32 $0x3B13, v23  }
0x263: {  	v36 =	vand.u32 $0x80000000, v22;
	vm0 =	vlt.f32 v22, $0.0e+00;
	vm1 =	vgt.f32 v22, $0.0e+00;
	v30 =	vld.idx.msk [tilespmem:v30+s16+$0x0], $0xffff  }
0x264: {  	v35 =	vld.idx.msk [tilespmem:v35+s16+$0x0], $0xffff;
	vm0 =	vmor vm1, vm0;
	v36 =	vor.u32 v36, v10  }
0x265: {  	v22 =	vsel vm0, v36, v22;
	v24 =	vld.idx.msk [tilespmem:v24+s16+$0x0], $0xffff;
	v61 =	vpop (erf)  }
0x266: {  	v25 =	vld.idx.msk [tilespmem:v25+s16+$0x0], $0xffff;
	v22 =	vmul.f32 v61, v22  }
0x267: {  	v31 =	vmul.f32 v32, v31;
	v23 =	vld.idx.msk [tilespmem:v23+s16+$0x0], $0xffff  }
0x268: {  	v62 =	vld.idx.msk [tilespmem:v29+s16+$0x0], $0xffff;
	v21 =	vadd.f32 $4.162750240e+00, v21;
	v30 =	vmul.f32 v33, v30;
	v22 =	vmul.f32 v22, v28  }
0x269: {  	v26 =	vld.idx.msk [tilespmem:v26+s16+$0x0], $0xffff  }
0x26a: {  	v24 =	vmul.f32 v35, v24;
	v63 =	vadd.f32 v30, v31;
	v21 =	vadd.f32 v22, v21  }
0x26b: {  	v22 =	vld [tilespmem:s29+$0x5980]  }
0x26c: {  	v25 =	vmul.f32 v34, v25;
	v24 =	vadd.f32 v24, v63;
	v21 =	vadd.f32 v21, v23;
	_ =	sdelay $0x1  }
0x26d: {  	v24 =	vadd.f32 v25, v24;
	v23 =	vmul.f32 v62, v26;
	v21 =	vadd.f32 v21, v27;
	_ =	sdelay $0x1  }
0x26e: {  	v23 =	vadd.f32 v23, v24;
	v21 =	vadd.f32 v21, v22;
	_ =	sdelay $0x1  }
0x26f: {  	v22 =	vadd.f32 v21, v23;
	_ =	sdelay $0x1  }
0x270: {  	s30 =	simm.s32 $0xC00;
	v21 =	vmul.f32 v22, v12;
	v25 =	vmul.f32 v22, v19  }
0x271: {  	s31 =	sand.u32 $0x3FFFFC00, s30;
	s0 =	simm.s32 $0x40;
	v24 =	vmul.f32 v22, v15;
	v23 =	vmul.f32 v22, v18  }
.LBB2_8:
0x272: {  	p0 =	sne.s32 s0, $0x1C0  }
0x273: {  	v22 =	vmul.f32 v22, v13;
	v25 =	vadd.f32 v25, v20;
	s30 =	sadd.s32 $0x80, s30;
	s4 =	smov.u32 s0;
	s0 =	sadd.s32 $0x40, s0  }
0x274: {  	s6 =	sadd.s32 s29, s31;
	s31 =	sand.u32 $0x3FFFFC00, s30;
	v24 =	vadd.f32 v24, v16  }
0x275: {  	v23 =	vadd.f32 v23, v17;
	v22 =	vadd.f32 v22, v14;
	[tilespmem:s6+$0x5C00] =	vst v25  }
0x276: {  	[tilespmem:s6+$0x5A80] =	vst v24  }
0x277: {  	v21 =	vadd.f32 v21, v11;
	s29 =	sshra.s32 s4, $0x2;
	[tilespmem:s6+$0x5B00] =	vst v23  }
0x278: {  	[tilespmem:s6+$0x5B80] =	vst v22  }
0x279: {  	[tilespmem:s6+$0x5A00] =	vst v21  }
0x27a: {  	v21 =	vld [tilespmem:s29+$0x180];
	_ =	sdelay $0x4  }
0x27b: {  	v22 =	vmul.u32 $0x5, v21;
	v23 =	vadd.s32 $0xA78, v21;
	_ =	sdelay $0x1  }
0x27c: {  	v24 =	vld [tilespmem:s29+$0x780];
	v25 =	vadd.s32 $0x1298, v22;
	v26 =	vadd.s32 $0x1299, v22;
	v27 =	vadd.s32 $0x129A, v22;
	_ =	sdelay $0x2  }
0x27d: {  	v23 =	vld.idx.msk [tilespmem:v23+s16+$0x0], $0xffff;
	_ =	sdelay $0x1  }
0x27e: {  	v24 =	vcvt.s32.f32 v24;
	_ =	sdelay $0x3  }
0x27f: {  	v23 =	vsub.f32 v24, v23;
	_ =	sdelay $0x1  }
0x280: {  	v24 =	vand.u32 $0x7FFFFFFF, v23;
	v28 =	vand.u32 $0x80000000, v23;
	vm0 =	vlt.f32 v23, $0.0e+00  }
0x281: {  	vm1 =	vgt.f32 v23, $0.0e+00;
	v29 =	vshrl.u32 v24, $0x17;
	v24 =	vand.u32 $0x7FFFFF, v24  }
0x282: {  	v28 =	vor.u32 v28, v10;
	vm0 =	vmor vm1, vm0;
	v24 =	vor.u32 $0x3F800000, v24  }
0x283: {  	v23 =	vsel vm0, v28, v23;
	v24 =	vadd.f32 $-1.000000000e+00, v24;
	_ =	sdelay $0x1  }
0x284: {  	v28 =	vmul.f32 $-2.482598460e-02, v24;
	_ =	sdelay $0x1  }
0x285: {  	v28 =	vadd.f32 $1.179068610e-01, v28;
	_ =	sdelay $0x1  }
0x286: {  	v28 =	vmul.f32 v28, v24;
	_ =	sdelay $0x1  }
0x287: {  	v28 =	vadd.f32 $-2.723558250e-01, v28;
	_ =	sdelay $0x1  }
0x288: {  	v28 =	vmul.f32 v28, v24;
	_ =	sdelay $0x1  }
0x289: {  	v28 =	vadd.f32 $4.538581970e-01, v28;
	_ =	sdelay $0x1  }
0x28a: {  	v28 =	vmul.f32 v28, v24;
	_ =	sdelay $0x1  }
0x28b: {  	v28 =	vadd.f32 $-7.169875500e-01, v28;
	_ =	sdelay $0x1  }
0x28c: {  	v28 =	vmul.f32 v28, v24;
	_ =	sdelay $0x1  }
0x28d: {  	v28 =	vadd.f32 $1.442395570e+00, v28  }
0x28e: {  	v29 =	vadd.s32 $0xFFFFFF81, v29  }
0x28f: {  	v29 =	vcvt.s32.f32 v29;
	v24 =	vmul.f32 v28, v24;
	_ =	sdelay $0x1  }
0x290: {  	v24 =	vadd.f32 $5.060328020e-06, v24;
	v28 =	vld [tilespmem:s29+$0x380];
	_ =	sdelay $0x1  }
0x291: {  	v24 =	vadd.f32 v29, v24;
	_ =	sdelay $0x1  }
0x292: {  	v29 =	vadd.s32 $0x53C, v21;
	v24 =	vmul.f32 $2.772588730e-01, v24  }
0x293: {  	v31 =	vadd.s32 $0x1297, v22;
	v30 =	vmul.u32 $0x5, v28;
	v28 =	vadd.s32 $0xFB4, v28;
	v27 =	vld.idx.msk [tilespmem:v27+s16+$0x0], $0xffff  }
0x294: {  	v22 =	vadd.s32 $0x1296, v22;
	v24 =	vmul.f32 $1.442695020e+00, v24;
	v25 =	vld.idx.msk [tilespmem:v25+s16+$0x0], $0xffff  }
0x295: {  	v32 =	vld [tilespmem:s29+$0x980];
	v33 =	vadd.s32 $0x2CC2, v30;
	v34 =	vadd.s32 $0x2CC3, v30  }
0x296: {  	v35 =	vadd.s32 $0x2CC5, v30;
	v36 =	vadd.s32 $0x2CC6, v30;
	v21 =	vld.idx.msk [tilespmem:v21+s16+$0x0], $0xffff;
	(erf) = vpow2.f32 v24  }
0x297: {  	v24 =	vld.idx.msk [tilespmem:v29+s16+$0x0], $0xffff  }
0x298: {  	v30 =	vadd.s32 $0x2CC4, v30;
	v29 =	vld.idx.msk [tilespmem:v31+s16+$0x0], $0xffff  }
0x299: {  	v22 =	vld.idx.msk [tilespmem:v22+s16+$0x0], $0xffff  }
0x29a: {  	v31 =	vld.idx.msk [tilespmem:v33+s16+$0x0], $0xffff;
	v32 =	vadd.s32 $0x3B13, v32  }
0x29b: {  	v33 =	vld.idx.msk [tilespmem:v35+s16+$0x0], $0xffff  }
0x29c: {  	v34 =	vld.idx.msk [tilespmem:v34+s16+$0x0], $0xffff  }
0x29d: {  	v30 =	vld.idx.msk [tilespmem:v30+s16+$0x0], $0xffff  }
0x29e: {  	v26 =	vld.idx.msk [tilespmem:v26+s16+$0x0], $0xffff  }
0x29f: {  	v32 =	vld.idx.msk [tilespmem:v32+s16+$0x0], $0xffff;
	v35 =	vpop (erf)  }
0x2a0: {  	v22 =	vmul.f32 v31, v22;
	v28 =	vld.idx.msk [tilespmem:v28+s16+$0x0], $0xffff;
	v23 =	vmul.f32 v35, v23  }
0x2a1: {  	v21 =	vadd.f32 $4.162750240e+00, v21;
	v31 =	vld.idx.msk [tilespmem:v36+s16+$0x0], $0xffff  }
0x2a2: {  	v29 =	vmul.f32 v34, v29;
	v23 =	vmul.f32 v23, v24  }
0x2a3: {  	v24 =	vmul.f32 v30, v25  }
0x2a4: {  	v22 =	vadd.f32 v29, v22;
	v21 =	vadd.f32 v23, v21  }
0x2a5: {  	v23 =	vmul.f32 v33, v26;
	v25 =	vld [tilespmem:s29+$0x5980]  }
0x2a6: {  	v22 =	vadd.f32 v24, v22;
	v21 =	vadd.f32 v21, v32  }
0x2a7: {  	v24 =	vmul.f32 v31, v27  }
0x2a8: {  	v22 =	vadd.f32 v23, v22;
	v21 =	vadd.f32 v21, v28;
	_ =	sdelay $0x1  }
0x2a9: {  	v22 =	vadd.f32 v24, v22;
	v21 =	vadd.f32 v21, v25  }
.Ltmp3:
0x2aa: {  	(pc) =	sbr.rel @p0 .LBB2_8-.Ltmp3, $3  }
0x2ab: {  	v22 =	vadd.f32 v21, v22;
	_ =	sdelay $0x1  }
0x2ac: {  	v21 =	vmul.f32 v22, v12;
	v25 =	vmul.f32 v22, v19  }
0x2ad: {  	v24 =	vmul.f32 v22, v15;
	v23 =	vmul.f32 v22, v18  }
0x2ae: {  	v12 =	vadd.f32 v25, v20  }
0x2af: {  	s0 =	sadd.s32 s29, s31;
	v11 =	vadd.f32 v21, v11  }
0x2b0: {  	v13 =	vmul.f32 v22, v13;
	v15 =	vadd.f32 v24, v16;
	[tilespmem:s0+$0x5C00] =	vst v12  }
0x2b1: {  	v62 =	vadd.f32 v23, v17;
	[tilespmem:s0+$0x5A00] =	vst v11  }
0x2b2: {  	v63 =	vadd.f32 v13, v14;
	[tilespmem:s0+$0x5A80] =	vst v15  }
0x2b3: {  	[tilespmem:s0+$0x5B00] =	vst v62  }
0x2b4: {  	[tilespmem:s0+$0x5B80] =	vst v63  }
0x2b5: {  	[hbm4b:s14+s19] =	stream.strided.scatter [tilespmem:s25], [sflag:$0x4], $0x0, s18, s19, $0x200038;
	[tilespmem:$0x6A00] =	vst v63  }
0x2b6: {  	_ = 	snop  }
0x2b7: {  	[hbm4b:s14+s3] =	stream.linear.scatter [tilespmem:s25], [sflag:$0x4], $0x280, $0x200038;
	[tilespmem:$0x6A00] =	vst v63  }
0x2b8: {  	_ =	strace $0x9000004B  }
0x2b9: {  	_ =	strace $0x8000004C  }
0x2ba: {  	_ =	swait.ge [sflag:s26], $0x280  }
0x2bb: {  	[sflag:s26] =	ssyncset.done $0x0  }
0x2bc: {  	[sflag:s26] =	ssyncadd.s32 $0xFFFFFD80  }
0x2bd: {  	_ =	swait.ge [sflag:s26], $0x280  }
0x2be: {  	[sflag:s26] =	ssyncset.done $0x0  }
0x2bf: {  	[sflag:s26] =	ssyncadd.s32 $0xFFFFFD80  }
0x2c0: {  	s28 =	sadd.s32 $0x1, s28;
	_ =	swait.ge [sflag:s26], $0x280  }
0x2c1: {  	p0 =	sne.s32 s28, s15;
	[sflag:s26] =	ssyncset.done $0x0  }
.Ltmp4:
0x2c2: {  	[sflag:s26] =	ssyncadd.s32 $0xFFFFFD80;
	(pc) =	sbr.rel @p0 .LBB2_1-.Ltmp4, $4  }
0x2c3: {  	_ =	swait.ge [sflag:s26], $0x280  }
0x2c4: {  	[sflag:s26] =	ssyncset.done $0x0  }
0x2c5: {  	[sflag:s26] =	ssyncadd.s32 $0xFFFFFD80  }
0x2c6: {  	_ =	strace $0x9000004C  }
0x2c7: {  	_ =	sfence.sel $0x180000  }
0x2c8: {  	[bflag:$0x0] =	sbarrier.arrive $0xFFFF  }
0x2c9: {  	_ =	strace $0x90000047  }
0x2ca: {  	s0 =	stileid.u32;
	[bflag:$0x2] =	sbarrier.arrive $0xFFFF  }
0x2cb: {  	p0 =	sne.s32 s0, $0x0;
	s0 =	rddreg [dreg:$0x8]  }
0x2cc: {  	s0 =	sadd.s32 @!p0 $0x100000, s0  }
0x2cd: {  	[sflag:s0] =	ssyncadd.tile.s32 @!p0 $0x1;
	_ =	shalt  }
.Lfunc_end2:
_tile_overlayer_lowered:
.L_overlay_start_2:
0x2ce: {  	(tag) =	ssettag $0x2  }
0x2cf: {  	s0 =	rddreg [dreg:$0x0];
	s2 =	stileid.u32  }
0x2d0: {  	s1 =	rddreg [dreg:$0x1];
	p0 =	sne.s32 s2, $0x0  }
0x2d1: {  	s3 =	rddreg [dreg:$0x2];
	[bflag:$0x3] =	sbarrier.arrive $0xFFFF;
	s2 =	simm.s32 @!p0 $0x1C05  }
0x2d2: {  	[timem:s3], [sflag:s2] =	dma.local @!p0 [hbm:s0], s1  }
0x2d3: {  	s0 =	simm.s32 @!p0 $0x5  }
0x2d4: {  	_ =	swait.ge @!p0 [sflag:s0], s1  }
0x2d5: {  	s1 =	ssub.s32 @!p0 $0x0, s1;
	[sflag:s0] =	ssyncset.done @!p0 $0x0  }
0x2d6: {  	[sflag:s0] =	ssyncadd.s32 @!p0 s1  }
0x2d7: {  	[bflag:$0x3] =	sbarrier.arrive $0xFFFF  }
0x2d8: {  	_ =	shalt  }

</sc_bundles>
